<compile_context>
chip_gen: v7x
topology: tpu7x:2x2x1
jax: 0.10.2.dev20260603
libtpu: 0.0.44.dev20260713+nightly
codegen_flags: <defaults>
</compile_context>

<pallas_src>
import functools

import jax
import jax.numpy as jnp
from jax import lax
from jax.experimental import pallas as pl
from jax.experimental.pallas import tpu as pltpu
from jax.experimental.pallas import tpu_sc as plsc

_ALPHA = 0.4
_MAX_COEFF = 10.0

_NC = 2
_NS = 16
_NW = _NC * _NS
_L = 16

_CHUNK = 128


def _sc_edge_kernel(V, F_pad, E_pad):
    epw = E_pad // _NW
    n_chunks = epw // _CHUNK
    fpt = F_pad // _NS

    mesh = plsc.VectorSubcoreMesh(core_axis_name="c", subcore_axis_name="s",
                                  num_cores=_NC, num_subcores=_NS)

    @functools.partial(
        pl.kernel,
        out_type=(
            jax.ShapeDtypeStruct((_NC, F_pad), jnp.float32),
            jax.ShapeDtypeStruct((_NC, F_pad), jnp.float32),
        ),
        mesh=mesh,
        compiler_params=pltpu.CompilerParams(needs_layout_passes=False),
        scratch_types=dict(
            vp_v=pltpu.VMEM((V,), jnp.float32),
            vidx_v=pltpu.VMEM((_CHUNK,), jnp.int32),
            fidx_v=pltpu.VMEM((_CHUNK,), jnp.int32),
            ef_v=pltpu.VMEM((_CHUNK,), jnp.float32),
            wev_v=pltpu.VMEM((_CHUNK,), jnp.float32),
            w_v=pltpu.VMEM((_CHUNK,), jnp.float32),
            coeff_v=pltpu.VMEM((_L,), jnp.float32),
            nom_s=pltpu.VMEM_SHARED((F_pad,), jnp.float32),
            den_s=pltpu.VMEM_SHARED((F_pad,), jnp.float32),
        ),
    )
    def body(vp_hbm, vidx_hbm, fidx_hbm, ef_hbm, coeff_hbm, zeros_hbm,
             nom_out, den_out,
             vp_v, vidx_v, fidx_v, ef_v, wev_v, w_v, coeff_v, nom_s, den_s):
        cid = lax.axis_index("c")
        sid = lax.axis_index("s")
        wid = sid * _NC + cid
        base = wid * epw

        pltpu.sync_copy(vp_hbm, vp_v)
        pltpu.sync_copy(coeff_hbm, coeff_v)
        pltpu.sync_copy(zeros_hbm.at[pl.ds(sid * fpt, fpt)],
                        nom_s.at[pl.ds(sid * fpt, fpt)])
        pltpu.sync_copy(zeros_hbm.at[pl.ds(sid * fpt, fpt)],
                        den_s.at[pl.ds(sid * fpt, fpt)])
        plsc.subcore_barrier()

        coeff = coeff_v[...]

        def chunk_body(i, _):
            off = base + i * _CHUNK
            pltpu.sync_copy(vidx_hbm.at[pl.ds(off, _CHUNK)], vidx_v)
            pltpu.sync_copy(fidx_hbm.at[pl.ds(off, _CHUNK)], fidx_v)
            pltpu.sync_copy(ef_hbm.at[pl.ds(off, _CHUNK)], ef_v)
            for j in range(_CHUNK // _L):
                sl = pl.ds(j * _L, _L)
                idx = vidx_v[sl]
                vpred = plsc.load_gather(vp_v, [idx])
                ef = ef_v[sl]
                ev = ef * vpred + (1.0 - ef) * 0.5
                w = jnp.exp(coeff * ev)
                wev_v[sl] = w * ev
                w_v[sl] = w
            pltpu.sync_copy(wev_v, nom_s.at[fidx_v], add=True)
            pltpu.sync_copy(w_v, den_s.at[fidx_v], add=True)
            return ()

        lax.fori_loop(0, n_chunks, chunk_body, ())
        plsc.subcore_barrier()

        pltpu.sync_copy(nom_s.at[pl.ds(sid * fpt, fpt)],
                        nom_out.at[cid, pl.ds(sid * fpt, fpt)])
        pltpu.sync_copy(den_s.at[pl.ds(sid * fpt, fpt)],
                        den_out.at[cid, pl.ds(sid * fpt, fpt)])

    return body


def _tc_finalize_kernel(eps_ref, nom_ref, den_ref, out_ref, *, F, rows):
    nom = nom_ref[0] + nom_ref[1]
    den = den_ref[0] + den_ref[1]
    eps = eps_ref[0, 0]
    cv = den / jnp.maximum(nom, eps)
    d = cv - 1.0
    d2 = d * d
    cv = 1.0 + d2 * d2 * d
    lg = jnp.log(jnp.maximum(cv, eps))
    ridx = lax.broadcasted_iota(jnp.int32, (rows, 128), 0)
    cidx = lax.broadcasted_iota(jnp.int32, (rows, 128), 1)
    mask = (ridx * 128 + cidx) < F
    out_ref[...] = jnp.reshape(jnp.sum(jnp.where(mask, lg, 0.0)) / F, (1, 1))


def kernel(variable_prediction, label, graph_map, batch_variable_map,
           batch_function_map, edge_feature, meta_data, global_step, eps):
    del label, batch_variable_map, meta_data
    V = variable_prediction.shape[0]
    F = batch_function_map.shape[0]
    E = graph_map.shape[1]

    rows = (F + 128 * _NS - 1) // (128 * _NS) * _NS
    F_pad = rows * 128
    eg = _NW * _CHUNK
    E_pad = (E + eg - 1) // eg * eg

    coeff = jnp.minimum(jnp.power(global_step[0], _ALPHA),
                        jnp.float32(_MAX_COEFF))
    coeff16 = jnp.full((_L,), coeff, dtype=jnp.float32)

    vp_flat = variable_prediction.reshape(V)
    pad_e = E_pad - E
    var_idx = jnp.pad(graph_map[0], (0, pad_e))
    fun_idx = jnp.pad(graph_map[1], (0, pad_e), constant_values=F_pad - 1)
    ef_flat = jnp.pad(edge_feature.reshape(E), (0, pad_e))
    zeros = jnp.zeros((F_pad,), jnp.float32)

    nom_p, den_p = _sc_edge_kernel(V, F_pad, E_pad)(
        vp_flat, var_idx, fun_idx, ef_flat, coeff16, zeros)

    nom_p = nom_p.reshape(_NC, rows, 128)
    den_p = den_p.reshape(_NC, rows, 128)
    out = pl.pallas_call(
        functools.partial(_tc_finalize_kernel, F=F, rows=rows),
        out_shape=jax.ShapeDtypeStruct((1, 1), jnp.float32),
        in_specs=[
            pl.BlockSpec(memory_space=pltpu.SMEM),
            pl.BlockSpec((_NC, rows, 128), lambda: (0, 0, 0)),
            pl.BlockSpec((_NC, rows, 128), lambda: (0, 0, 0)),
        ],
        out_specs=pl.BlockSpec((1, 1), lambda: (0, 0)),
    )(eps.reshape(1, 1), nom_p, den_p)
    return out.reshape(())

# --- scband reference (transcript-rebuilt; emitter-appended) ---
"""Pipeline reference for scband-sat-loss-evaluator-31353261260819 (READ-ONLY COPY).

The authoritative reference and input builder live on the scoring server;
editing this copy changes nothing except your own understanding.
"""

import jax, jax.numpy as jnp
import numpy as np

V = 100000
F = 100000
E = 3200000
ALPHA = 0.4
MAX_COEFF = 10.0
LOSS_SHARPNESS = 5


def setup_inputs(seed: int = 0):
    key = jax.random.key(seed)
    ks = jax.random.split(key, 8)
    variable_prediction = jax.random.uniform(ks[0], (V, 1), dtype=jnp.float32)
    label = jax.random.uniform(ks[1], (V, 1), dtype=jnp.float32)
    var_idx = jax.random.randint(ks[2], (E,), 0, V, dtype=jnp.int32)
    fun_idx = jax.random.randint(ks[3], (E,), 0, F, dtype=jnp.int32)
    graph_map = jnp.stack([var_idx, fun_idx])
    batch_variable_map = jax.random.randint(ks[4], (V,), 0, 16, dtype=jnp.int32)
    batch_function_map = jax.random.randint(ks[5], (F,), 0, 16, dtype=jnp.int32)
    edge_feature = jax.random.uniform(ks[6], (E, 1), dtype=jnp.float32)
    meta_data = jnp.zeros((1,), dtype=jnp.float32)
    global_step = jnp.ones((1,), dtype=jnp.float32)
    eps = jnp.zeros((1,), dtype=jnp.float32)
    return {"variable_prediction": variable_prediction, "label": label, "graph_map": graph_map, "batch_variable_map": batch_variable_map, "batch_function_map": batch_function_map, "edge_feature": edge_feature, "meta_data": meta_data, "global_step": global_step, "eps": eps}


def reference(variable_prediction, label, graph_map, batch_variable_map, batch_function_map, edge_feature, meta_data, global_step, eps):
    coeff = jnp.minimum(jnp.power(global_step, ALPHA), jnp.full((1,), MAX_COEFF, dtype=jnp.float32))
    var_idx = graph_map[0]
    fun_idx = graph_map[1]
    function_num = batch_function_map.shape[0]
    # sparse [E,V] (values=edge_feature) @ variable_prediction[V,1] == gather + scale
    edge_values = edge_feature * jnp.take(variable_prediction, var_idx, axis=0)
    edge_values = edge_values + (1.0 - edge_feature) / 2.0
    weights = jnp.exp(coeff * edge_values)
    # sparse [F,E] (values=1) @ x[E,1] == scatter-add over clause ids
    nominator = jax.ops.segment_sum(weights * edge_values, fun_idx, num_segments=function_num)
    denominator = jax.ops.segment_sum(weights, fun_idx, num_segments=function_num)
    clause_value = denominator / jnp.maximum(nominator, eps)
    clause_value = 1.0 + (clause_value - 1.0) ** LOSS_SHARPNESS
    return jnp.mean(jnp.log(jnp.maximum(clause_value, eps)))

if __name__ == "__main__":
    import jax
    _d = setup_inputs()
    print(jax.jit(kernel)(*tuple(_d.values())))

</pallas_src>

<mosaic_0001>
#map = affine_map<(d0, d1) -> (0)>
#map1 = affine_map<(d0, d1) -> (0, 0)>
module attributes {stable_mosaic.version = 14 : i64} {
  func.func @body(%arg0: i32, %arg1: i32, %arg2: memref<100000xf32, #tpu.memory_space<hbm>>, %arg3: memref<3203072xi32, #tpu.memory_space<hbm>>, %arg4: memref<3203072xi32, #tpu.memory_space<hbm>>, %arg5: memref<3203072xf32, #tpu.memory_space<hbm>>, %arg6: memref<16xf32, #tpu.memory_space<hbm>>, %arg7: memref<100352xf32, #tpu.memory_space<hbm>>, %arg8: memref<2x100352xf32, #tpu.memory_space<hbm>>, %arg9: memref<2x100352xf32, #tpu.memory_space<hbm>>, %arg10: memref<16xf32, #tpu.memory_space<vmem>>, %arg11: memref<100352xf32, #tpu.memory_space<vmem_shared>>, %arg12: memref<128xf32, #tpu.memory_space<vmem>>, %arg13: memref<128xi32, #tpu.memory_space<vmem>>, %arg14: memref<100352xf32, #tpu.memory_space<vmem_shared>>, %arg15: memref<128xi32, #tpu.memory_space<vmem>>, %arg16: memref<100000xf32, #tpu.memory_space<vmem>>, %arg17: memref<128xf32, #tpu.memory_space<vmem>>, %arg18: memref<128xf32, #tpu.memory_space<vmem>>) attributes {dimension_semantics = [#tpu.dimension_semantics<core_parallel>, #tpu.dimension_semantics<subcore_parallel>], iteration_bounds = array<i64: 2, 16>, scalar_prefetch = 0 : i64, scratch_operands = 9 : i64, tpu.core_type = #tpu.core_type<sc_vector_subcore>, window_params = [{transform_indices = #map}, {transform_indices = #map}, {transform_indices = #map}, {transform_indices = #map}, {transform_indices = #map}, {transform_indices = #map}, {transform_indices = #map1}, {transform_indices = #map1}]} {
    %mul3A = arith.constant 2 : i32
    %mul3A_0 = arith.muli %arg1, %mul3A : i32
    %add3A = arith.addi %mul3A_0, %arg0 : i32
    %mul3A_1 = arith.constant 100096 : i32
    %mul3A_2 = arith.muli %add3A, %mul3A_1 : i32
    "tpu.region"() ({
      %run_scoped3A = tpu.sem_alloc : memref<!tpu.dma_semaphore, #tpu.memory_space<semaphore_mem>>
      tpu.enqueue_dma source(%arg2 : memref<100000xf32, #tpu.memory_space<hbm>>) target(%arg16 : memref<100000xf32, #tpu.memory_space<vmem>>) target_semaphore(%run_scoped3A : memref<!tpu.dma_semaphore, #tpu.memory_space<semaphore_mem>>)
      tpu.wait_dma2 semaphore(%run_scoped3A : memref<!tpu.dma_semaphore, #tpu.memory_space<semaphore_mem>>) src(%arg2 : memref<100000xf32, #tpu.memory_space<hbm>>) dst(%arg16 : memref<100000xf32, #tpu.memory_space<vmem>>)
      tpu.yield
    }) : () -> ()
    "tpu.region"() ({
      %run_scoped3A = tpu.sem_alloc : memref<!tpu.dma_semaphore, #tpu.memory_space<semaphore_mem>>
      tpu.enqueue_dma source(%arg6 : memref<16xf32, #tpu.memory_space<hbm>>) target(%arg10 : memref<16xf32, #tpu.memory_space<vmem>>) target_semaphore(%run_scoped3A : memref<!tpu.dma_semaphore, #tpu.memory_space<semaphore_mem>>)
      tpu.wait_dma2 semaphore(%run_scoped3A : memref<!tpu.dma_semaphore, #tpu.memory_space<semaphore_mem>>) src(%arg6 : memref<16xf32, #tpu.memory_space<hbm>>) dst(%arg10 : memref<16xf32, #tpu.memory_space<vmem>>)
      tpu.yield
    }) : () -> ()
    %mul3A_3 = arith.constant 6272 : i32
    %mul3A_4 = arith.muli %arg1, %mul3A_3 : i32
    %mul3A_5 = arith.constant 6272 : i32
    %mul3A_6 = arith.muli %arg1, %mul3A_5 : i32
    "tpu.region"() ({
      %run_scoped3A = tpu.sem_alloc : memref<!tpu.dma_semaphore, #tpu.memory_space<semaphore_mem>>
      %dma_start3A = tpu.memref_slice %arg14[%mul3A_6] : memref<100352xf32, #tpu.memory_space<vmem_shared>> -> memref<6272xf32, #tpu.memory_space<vmem_shared>>
      %dma_start3A_25 = tpu.memref_slice %arg7[%mul3A_4] : memref<100352xf32, #tpu.memory_space<hbm>> -> memref<6272xf32, #tpu.memory_space<hbm>>
      tpu.enqueue_dma source(%dma_start3A_25 : memref<6272xf32, #tpu.memory_space<hbm>>) target(%dma_start3A : memref<6272xf32, #tpu.memory_space<vmem_shared>>) target_semaphore(%run_scoped3A : memref<!tpu.dma_semaphore, #tpu.memory_space<semaphore_mem>>)
      %dma_wait3A = tpu.memref_slice %arg14[%mul3A_6] : memref<100352xf32, #tpu.memory_space<vmem_shared>> -> memref<6272xf32, #tpu.memory_space<vmem_shared>>
      %dma_wait3A_26 = tpu.memref_slice %arg7[%mul3A_4] : memref<100352xf32, #tpu.memory_space<hbm>> -> memref<6272xf32, #tpu.memory_space<hbm>>
      tpu.wait_dma2 semaphore(%run_scoped3A : memref<!tpu.dma_semaphore, #tpu.memory_space<semaphore_mem>>) src(%dma_wait3A_26 : memref<6272xf32, #tpu.memory_space<hbm>>) dst(%dma_wait3A : memref<6272xf32, #tpu.memory_space<vmem_shared>>)
      tpu.yield
    }) : () -> ()
    %mul3A_7 = arith.constant 6272 : i32
    %mul3A_8 = arith.muli %arg1, %mul3A_7 : i32
    %mul3A_9 = arith.constant 6272 : i32
    %mul3A_10 = arith.muli %arg1, %mul3A_9 : i32
    "tpu.region"() ({
      %run_scoped3A = tpu.sem_alloc : memref<!tpu.dma_semaphore, #tpu.memory_space<semaphore_mem>>
      %dma_start3A = tpu.memref_slice %arg11[%mul3A_10] : memref<100352xf32, #tpu.memory_space<vmem_shared>> -> memref<6272xf32, #tpu.memory_space<vmem_shared>>
      %dma_start3A_25 = tpu.memref_slice %arg7[%mul3A_8] : memref<100352xf32, #tpu.memory_space<hbm>> -> memref<6272xf32, #tpu.memory_space<hbm>>
      tpu.enqueue_dma source(%dma_start3A_25 : memref<6272xf32, #tpu.memory_space<hbm>>) target(%dma_start3A : memref<6272xf32, #tpu.memory_space<vmem_shared>>) target_semaphore(%run_scoped3A : memref<!tpu.dma_semaphore, #tpu.memory_space<semaphore_mem>>)
      %dma_wait3A = tpu.memref_slice %arg11[%mul3A_10] : memref<100352xf32, #tpu.memory_space<vmem_shared>> -> memref<6272xf32, #tpu.memory_space<vmem_shared>>
      %dma_wait3A_26 = tpu.memref_slice %arg7[%mul3A_8] : memref<100352xf32, #tpu.memory_space<hbm>> -> memref<6272xf32, #tpu.memory_space<hbm>>
      tpu.wait_dma2 semaphore(%run_scoped3A : memref<!tpu.dma_semaphore, #tpu.memory_space<semaphore_mem>>) src(%dma_wait3A_26 : memref<6272xf32, #tpu.memory_space<hbm>>) dst(%dma_wait3A : memref<6272xf32, #tpu.memory_space<vmem_shared>>)
      tpu.yield
    }) : () -> ()
    %barrier3A = arith.constant 0 : index
    tpu.barrier barrier_id(%barrier3A)
    %get3A = arith.constant 0 : index
    %get3A_11 = tpu.vector_load %arg10[%get3A] {strides = array<i32>} : memref<16xf32, #tpu.memory_space<vmem>>, vector<16xf32>,
    %scan3A = arith.constant 0 : i32
    %scan3A_12 = arith.constant 782 : i32
    %scan3A_13 = arith.addi %scan3A, %scan3A_12 : i32
    %scan3A_14 = arith.constant 1 : i32
    scf.for %scan3A_25 = %scan3A to %scan3A_13 step %scan3A_14  : i32 {
      %mul3A_26 = arith.constant 128 : i32
      %mul3A_27 = arith.muli %scan3A_25, %mul3A_26 : i32
      %add3A_28 = arith.addi %mul3A_2, %mul3A_27 : i32
      "tpu.region"() ({
        %run_scoped3A = tpu.sem_alloc : memref<!tpu.dma_semaphore, #tpu.memory_space<semaphore_mem>>
        %dma_start3A = tpu.memref_slice %arg3[%add3A_28] : memref<3203072xi32, #tpu.memory_space<hbm>> -> memref<128xi32, #tpu.memory_space<hbm>>
        %dma_start3A_185 = tpu.memref_slice %arg3[%add3A_28] : memref<3203072xi32, #tpu.memory_space<hbm>> -> memref<128xi32, #tpu.memory_space<hbm>>
        tpu.enqueue_dma source(%dma_start3A_185 : memref<128xi32, #tpu.memory_space<hbm>>) target(%arg15 : memref<128xi32, #tpu.memory_space<vmem>>) target_semaphore(%run_scoped3A : memref<!tpu.dma_semaphore, #tpu.memory_space<semaphore_mem>>)
        %dma_wait3A = tpu.memref_slice %arg3[%add3A_28] : memref<3203072xi32, #tpu.memory_space<hbm>> -> memref<128xi32, #tpu.memory_space<hbm>>
        %dma_wait3A_186 = tpu.memref_slice %arg3[%add3A_28] : memref<3203072xi32, #tpu.memory_space<hbm>> -> memref<128xi32, #tpu.memory_space<hbm>>
        tpu.wait_dma2 semaphore(%run_scoped3A : memref<!tpu.dma_semaphore, #tpu.memory_space<semaphore_mem>>) src(%dma_wait3A_186 : memref<128xi32, #tpu.memory_space<hbm>>) dst(%arg15 : memref<128xi32, #tpu.memory_space<vmem>>)
        tpu.yield
      }) : () -> ()
      "tpu.region"() ({
        %run_scoped3A = tpu.sem_alloc : memref<!tpu.dma_semaphore, #tpu.memory_space<semaphore_mem>>
        %dma_start3A = tpu.memref_slice %arg4[%add3A_28] : memref<3203072xi32, #tpu.memory_space<hbm>> -> memref<128xi32, #tpu.memory_space<hbm>>
        %dma_start3A_185 = tpu.memref_slice %arg4[%add3A_28] : memref<3203072xi32, #tpu.memory_space<hbm>> -> memref<128xi32, #tpu.memory_space<hbm>>
        tpu.enqueue_dma source(%dma_start3A_185 : memref<128xi32, #tpu.memory_space<hbm>>) target(%arg13 : memref<128xi32, #tpu.memory_space<vmem>>) target_semaphore(%run_scoped3A : memref<!tpu.dma_semaphore, #tpu.memory_space<semaphore_mem>>)
        %dma_wait3A = tpu.memref_slice %arg4[%add3A_28] : memref<3203072xi32, #tpu.memory_space<hbm>> -> memref<128xi32, #tpu.memory_space<hbm>>
        %dma_wait3A_186 = tpu.memref_slice %arg4[%add3A_28] : memref<3203072xi32, #tpu.memory_space<hbm>> -> memref<128xi32, #tpu.memory_space<hbm>>
        tpu.wait_dma2 semaphore(%run_scoped3A : memref<!tpu.dma_semaphore, #tpu.memory_space<semaphore_mem>>) src(%dma_wait3A_186 : memref<128xi32, #tpu.memory_space<hbm>>) dst(%arg13 : memref<128xi32, #tpu.memory_space<vmem>>)
        tpu.yield
      }) : () -> ()
      "tpu.region"() ({
        %run_scoped3A = tpu.sem_alloc : memref<!tpu.dma_semaphore, #tpu.memory_space<semaphore_mem>>
        %dma_start3A = tpu.memref_slice %arg5[%add3A_28] : memref<3203072xf32, #tpu.memory_space<hbm>> -> memref<128xf32, #tpu.memory_space<hbm>>
        %dma_start3A_185 = tpu.memref_slice %arg5[%add3A_28] : memref<3203072xf32, #tpu.memory_space<hbm>> -> memref<128xf32, #tpu.memory_space<hbm>>
        tpu.enqueue_dma source(%dma_start3A_185 : memref<128xf32, #tpu.memory_space<hbm>>) target(%arg12 : memref<128xf32, #tpu.memory_space<vmem>>) target_semaphore(%run_scoped3A : memref<!tpu.dma_semaphore, #tpu.memory_space<semaphore_mem>>)
        %dma_wait3A = tpu.memref_slice %arg5[%add3A_28] : memref<3203072xf32, #tpu.memory_space<hbm>> -> memref<128xf32, #tpu.memory_space<hbm>>
        %dma_wait3A_186 = tpu.memref_slice %arg5[%add3A_28] : memref<3203072xf32, #tpu.memory_space<hbm>> -> memref<128xf32, #tpu.memory_space<hbm>>
        tpu.wait_dma2 semaphore(%run_scoped3A : memref<!tpu.dma_semaphore, #tpu.memory_space<semaphore_mem>>) src(%dma_wait3A_186 : memref<128xf32, #tpu.memory_space<hbm>>) dst(%arg12 : memref<128xf32, #tpu.memory_space<vmem>>)
        tpu.yield
      }) : () -> ()
      %get3A_29 = arith.constant 0 : index
      %get3A_30 = tpu.vector_load %arg15[%get3A_29] {strides = array<i32>} : memref<128xi32, #tpu.memory_space<vmem>>, vector<16xi32>,
      %gather3A = tpu.vector_load_idx %arg16[%get3A_30] : memref<100000xf32, #tpu.memory_space<vmem>>[vector<16xi32>], vector<16xf32>,
      %get3A_31 = arith.constant 0 : index
      %get3A_32 = tpu.vector_load %arg12[%get3A_31] {strides = array<i32>} : memref<128xf32, #tpu.memory_space<vmem>>, vector<16xf32>,
      %mul3A_33 = arith.mulf %get3A_32, %gather3A : vector<16xf32>
      %sub3A = arith.constant 1.000000e+00 : f32
      %sub3A_34 = vector.broadcast %sub3A : f32 to vector<16xf32>
      %sub3A_35 = arith.subf %sub3A_34, %get3A_32 : vector<16xf32>
      %mul3A_36 = arith.constant 5.000000e-01 : f32
      %mul3A_37 = vector.broadcast %mul3A_36 : f32 to vector<16xf32>
      %mul3A_38 = arith.mulf %sub3A_35, %mul3A_37 : vector<16xf32>
      %add3A_39 = arith.addf %mul3A_33, %mul3A_38 : vector<16xf32>
      %mul3A_40 = arith.mulf %get3A_11, %add3A_39 : vector<16xf32>
      %exp3A = math.exp %mul3A_40 : vector<16xf32>
      %mul3A_41 = arith.mulf %exp3A, %add3A_39 : vector<16xf32>
      %swap3A = arith.constant 0 : index
      %swap3A_42 = tpu.vector_load %arg18[%swap3A] {strides = array<i32>} : memref<128xf32, #tpu.memory_space<vmem>>, vector<16xf32>,
      tpu.vector_store %arg18[%swap3A], %mul3A_41 {strides = array<i32>} : memref<128xf32, #tpu.memory_space<vmem>>, vector<16xf32>,
      %swap3A_43 = arith.constant 0 : index
      %swap3A_44 = tpu.vector_load %arg17[%swap3A_43] {strides = array<i32>} : memref<128xf32, #tpu.memory_space<vmem>>, vector<16xf32>,
      tpu.vector_store %arg17[%swap3A_43], %exp3A {strides = array<i32>} : memref<128xf32, #tpu.memory_space<vmem>>, vector<16xf32>,
      %get3A_45 = arith.constant 16 : index
      %get3A_46 = tpu.vector_load %arg15[%get3A_45] {strides = array<i32>} : memref<128xi32, #tpu.memory_space<vmem>>, vector<16xi32>,
      %gather3A_47 = tpu.vector_load_idx %arg16[%get3A_46] : memref<100000xf32, #tpu.memory_space<vmem>>[vector<16xi32>], vector<16xf32>,
      %get3A_48 = arith.constant 16 : index
      %get3A_49 = tpu.vector_load %arg12[%get3A_48] {strides = array<i32>} : memref<128xf32, #tpu.memory_space<vmem>>, vector<16xf32>,
      %mul3A_50 = arith.mulf %get3A_49, %gather3A_47 : vector<16xf32>
      %sub3A_51 = arith.constant 1.000000e+00 : f32
      %sub3A_52 = vector.broadcast %sub3A_51 : f32 to vector<16xf32>
      %sub3A_53 = arith.subf %sub3A_52, %get3A_49 : vector<16xf32>
      %mul3A_54 = arith.constant 5.000000e-01 : f32
      %mul3A_55 = vector.broadcast %mul3A_54 : f32 to vector<16xf32>
      %mul3A_56 = arith.mulf %sub3A_53, %mul3A_55 : vector<16xf32>
      %add3A_57 = arith.addf %mul3A_50, %mul3A_56 : vector<16xf32>
      %mul3A_58 = arith.mulf %get3A_11, %add3A_57 : vector<16xf32>
      %exp3A_59 = math.exp %mul3A_58 : vector<16xf32>
      %mul3A_60 = arith.mulf %exp3A_59, %add3A_57 : vector<16xf32>
      %swap3A_61 = arith.constant 16 : index
      %swap3A_62 = tpu.vector_load %arg18[%swap3A_61] {strides = array<i32>} : memref<128xf32, #tpu.memory_space<vmem>>, vector<16xf32>,
      tpu.vector_store %arg18[%swap3A_61], %mul3A_60 {strides = array<i32>} : memref<128xf32, #tpu.memory_space<vmem>>, vector<16xf32>,
      %swap3A_63 = arith.constant 16 : index
      %swap3A_64 = tpu.vector_load %arg17[%swap3A_63] {strides = array<i32>} : memref<128xf32, #tpu.memory_space<vmem>>, vector<16xf32>,
      tpu.vector_store %arg17[%swap3A_63], %exp3A_59 {strides = array<i32>} : memref<128xf32, #tpu.memory_space<vmem>>, vector<16xf32>,
      %get3A_65 = arith.constant 32 : index
      %get3A_66 = tpu.vector_load %arg15[%get3A_65] {strides = array<i32>} : memref<128xi32, #tpu.memory_space<vmem>>, vector<16xi32>,
      %gather3A_67 = tpu.vector_load_idx %arg16[%get3A_66] : memref<100000xf32, #tpu.memory_space<vmem>>[vector<16xi32>], vector<16xf32>,
      %get3A_68 = arith.constant 32 : index
      %get3A_69 = tpu.vector_load %arg12[%get3A_68] {strides = array<i32>} : memref<128xf32, #tpu.memory_space<vmem>>, vector<16xf32>,
      %mul3A_70 = arith.mulf %get3A_69, %gather3A_67 : vector<16xf32>
      %sub3A_71 = arith.constant 1.000000e+00 : f32
      %sub3A_72 = vector.broadcast %sub3A_71 : f32 to vector<16xf32>
      %sub3A_73 = arith.subf %sub3A_72, %get3A_69 : vector<16xf32>
      %mul3A_74 = arith.constant 5.000000e-01 : f32
      %mul3A_75 = vector.broadcast %mul3A_74 : f32 to vector<16xf32>
      %mul3A_76 = arith.mulf %sub3A_73, %mul3A_75 : vector<16xf32>
      %add3A_77 = arith.addf %mul3A_70, %mul3A_76 : vector<16xf32>
      %mul3A_78 = arith.mulf %get3A_11, %add3A_77 : vector<16xf32>
      %exp3A_79 = math.exp %mul3A_78 : vector<16xf32>
      %mul3A_80 = arith.mulf %exp3A_79, %add3A_77 : vector<16xf32>
      %swap3A_81 = arith.constant 32 : index
      %swap3A_82 = tpu.vector_load %arg18[%swap3A_81] {strides = array<i32>} : memref<128xf32, #tpu.memory_space<vmem>>, vector<16xf32>,
      tpu.vector_store %arg18[%swap3A_81], %mul3A_80 {strides = array<i32>} : memref<128xf32, #tpu.memory_space<vmem>>, vector<16xf32>,
      %swap3A_83 = arith.constant 32 : index
      %swap3A_84 = tpu.vector_load %arg17[%swap3A_83] {strides = array<i32>} : memref<128xf32, #tpu.memory_space<vmem>>, vector<16xf32>,
      tpu.vector_store %arg17[%swap3A_83], %exp3A_79 {strides = array<i32>} : memref<128xf32, #tpu.memory_space<vmem>>, vector<16xf32>,
      %get3A_85 = arith.constant 48 : index
      %get3A_86 = tpu.vector_load %arg15[%get3A_85] {strides = array<i32>} : memref<128xi32, #tpu.memory_space<vmem>>, vector<16xi32>,
      %gather3A_87 = tpu.vector_load_idx %arg16[%get3A_86] : memref<100000xf32, #tpu.memory_space<vmem>>[vector<16xi32>], vector<16xf32>,
      %get3A_88 = arith.constant 48 : index
      %get3A_89 = tpu.vector_load %arg12[%get3A_88] {strides = array<i32>} : memref<128xf32, #tpu.memory_space<vmem>>, vector<16xf32>,
      %mul3A_90 = arith.mulf %get3A_89, %gather3A_87 : vector<16xf32>
      %sub3A_91 = arith.constant 1.000000e+00 : f32
      %sub3A_92 = vector.broadcast %sub3A_91 : f32 to vector<16xf32>
      %sub3A_93 = arith.subf %sub3A_92, %get3A_89 : vector<16xf32>
      %mul3A_94 = arith.constant 5.000000e-01 : f32
      %mul3A_95 = vector.broadcast %mul3A_94 : f32 to vector<16xf32>
      %mul3A_96 = arith.mulf %sub3A_93, %mul3A_95 : vector<16xf32>
      %add3A_97 = arith.addf %mul3A_90, %mul3A_96 : vector<16xf32>
      %mul3A_98 = arith.mulf %get3A_11, %add3A_97 : vector<16xf32>
      %exp3A_99 = math.exp %mul3A_98 : vector<16xf32>
      %mul3A_100 = arith.mulf %exp3A_99, %add3A_97 : vector<16xf32>
      %swap3A_101 = arith.constant 48 : index
      %swap3A_102 = tpu.vector_load %arg18[%swap3A_101] {strides = array<i32>} : memref<128xf32, #tpu.memory_space<vmem>>, vector<16xf32>,
      tpu.vector_store %arg18[%swap3A_101], %mul3A_100 {strides = array<i32>} : memref<128xf32, #tpu.memory_space<vmem>>, vector<16xf32>,
      %swap3A_103 = arith.constant 48 : index
      %swap3A_104 = tpu.vector_load %arg17[%swap3A_103] {strides = array<i32>} : memref<128xf32, #tpu.memory_space<vmem>>, vector<16xf32>,
      tpu.vector_store %arg17[%swap3A_103], %exp3A_99 {strides = array<i32>} : memref<128xf32, #tpu.memory_space<vmem>>, vector<16xf32>,
      %get3A_105 = arith.constant 64 : index
      %get3A_106 = tpu.vector_load %arg15[%get3A_105] {strides = array<i32>} : memref<128xi32, #tpu.memory_space<vmem>>, vector<16xi32>,
      %gather3A_107 = tpu.vector_load_idx %arg16[%get3A_106] : memref<100000xf32, #tpu.memory_space<vmem>>[vector<16xi32>], vector<16xf32>,
      %get3A_108 = arith.constant 64 : index
      %get3A_109 = tpu.vector_load %arg12[%get3A_108] {strides = array<i32>} : memref<128xf32, #tpu.memory_space<vmem>>, vector<16xf32>,
      %mul3A_110 = arith.mulf %get3A_109, %gather3A_107 : vector<16xf32>
      %sub3A_111 = arith.constant 1.000000e+00 : f32
      %sub3A_112 = vector.broadcast %sub3A_111 : f32 to vector<16xf32>
      %sub3A_113 = arith.subf %sub3A_112, %get3A_109 : vector<16xf32>
      %mul3A_114 = arith.constant 5.000000e-01 : f32
      %mul3A_115 = vector.broadcast %mul3A_114 : f32 to vector<16xf32>
      %mul3A_116 = arith.mulf %sub3A_113, %mul3A_115 : vector<16xf32>
      %add3A_117 = arith.addf %mul3A_110, %mul3A_116 : vector<16xf32>
      %mul3A_118 = arith.mulf %get3A_11, %add3A_117 : vector<16xf32>
      %exp3A_119 = math.exp %mul3A_118 : vector<16xf32>
      %mul3A_120 = arith.mulf %exp3A_119, %add3A_117 : vector<16xf32>
      %swap3A_121 = arith.constant 64 : index
      %swap3A_122 = tpu.vector_load %arg18[%swap3A_121] {strides = array<i32>} : memref<128xf32, #tpu.memory_space<vmem>>, vector<16xf32>,
      tpu.vector_store %arg18[%swap3A_121], %mul3A_120 {strides = array<i32>} : memref<128xf32, #tpu.memory_space<vmem>>, vector<16xf32>,
      %swap3A_123 = arith.constant 64 : index
      %swap3A_124 = tpu.vector_load %arg17[%swap3A_123] {strides = array<i32>} : memref<128xf32, #tpu.memory_space<vmem>>, vector<16xf32>,
      tpu.vector_store %arg17[%swap3A_123], %exp3A_119 {strides = array<i32>} : memref<128xf32, #tpu.memory_space<vmem>>, vector<16xf32>,
      %get3A_125 = arith.constant 80 : index
      %get3A_126 = tpu.vector_load %arg15[%get3A_125] {strides = array<i32>} : memref<128xi32, #tpu.memory_space<vmem>>, vector<16xi32>,
      %gather3A_127 = tpu.vector_load_idx %arg16[%get3A_126] : memref<100000xf32, #tpu.memory_space<vmem>>[vector<16xi32>], vector<16xf32>,
      %get3A_128 = arith.constant 80 : index
      %get3A_129 = tpu.vector_load %arg12[%get3A_128] {strides = array<i32>} : memref<128xf32, #tpu.memory_space<vmem>>, vector<16xf32>,
      %mul3A_130 = arith.mulf %get3A_129, %gather3A_127 : vector<16xf32>
      %sub3A_131 = arith.constant 1.000000e+00 : f32
      %sub3A_132 = vector.broadcast %sub3A_131 : f32 to vector<16xf32>
      %sub3A_133 = arith.subf %sub3A_132, %get3A_129 : vector<16xf32>
      %mul3A_134 = arith.constant 5.000000e-01 : f32
      %mul3A_135 = vector.broadcast %mul3A_134 : f32 to vector<16xf32>
      %mul3A_136 = arith.mulf %sub3A_133, %mul3A_135 : vector<16xf32>
      %add3A_137 = arith.addf %mul3A_130, %mul3A_136 : vector<16xf32>
      %mul3A_138 = arith.mulf %get3A_11, %add3A_137 : vector<16xf32>
      %exp3A_139 = math.exp %mul3A_138 : vector<16xf32>
      %mul3A_140 = arith.mulf %exp3A_139, %add3A_137 : vector<16xf32>
      %swap3A_141 = arith.constant 80 : index
      %swap3A_142 = tpu.vector_load %arg18[%swap3A_141] {strides = array<i32>} : memref<128xf32, #tpu.memory_space<vmem>>, vector<16xf32>,
      tpu.vector_store %arg18[%swap3A_141], %mul3A_140 {strides = array<i32>} : memref<128xf32, #tpu.memory_space<vmem>>, vector<16xf32>,
      %swap3A_143 = arith.constant 80 : index
      %swap3A_144 = tpu.vector_load %arg17[%swap3A_143] {strides = array<i32>} : memref<128xf32, #tpu.memory_space<vmem>>, vector<16xf32>,
      tpu.vector_store %arg17[%swap3A_143], %exp3A_139 {strides = array<i32>} : memref<128xf32, #tpu.memory_space<vmem>>, vector<16xf32>,
      %get3A_145 = arith.constant 96 : index
      %get3A_146 = tpu.vector_load %arg15[%get3A_145] {strides = array<i32>} : memref<128xi32, #tpu.memory_space<vmem>>, vector<16xi32>,
      %gather3A_147 = tpu.vector_load_idx %arg16[%get3A_146] : memref<100000xf32, #tpu.memory_space<vmem>>[vector<16xi32>], vector<16xf32>,
      %get3A_148 = arith.constant 96 : index
      %get3A_149 = tpu.vector_load %arg12[%get3A_148] {strides = array<i32>} : memref<128xf32, #tpu.memory_space<vmem>>, vector<16xf32>,
      %mul3A_150 = arith.mulf %get3A_149, %gather3A_147 : vector<16xf32>
      %sub3A_151 = arith.constant 1.000000e+00 : f32
      %sub3A_152 = vector.broadcast %sub3A_151 : f32 to vector<16xf32>
      %sub3A_153 = arith.subf %sub3A_152, %get3A_149 : vector<16xf32>
      %mul3A_154 = arith.constant 5.000000e-01 : f32
      %mul3A_155 = vector.broadcast %mul3A_154 : f32 to vector<16xf32>
      %mul3A_156 = arith.mulf %sub3A_153, %mul3A_155 : vector<16xf32>
      %add3A_157 = arith.addf %mul3A_150, %mul3A_156 : vector<16xf32>
      %mul3A_158 = arith.mulf %get3A_11, %add3A_157 : vector<16xf32>
      %exp3A_159 = math.exp %mul3A_158 : vector<16xf32>
      %mul3A_160 = arith.mulf %exp3A_159, %add3A_157 : vector<16xf32>
      %swap3A_161 = arith.constant 96 : index
      %swap3A_162 = tpu.vector_load %arg18[%swap3A_161] {strides = array<i32>} : memref<128xf32, #tpu.memory_space<vmem>>, vector<16xf32>,
      tpu.vector_store %arg18[%swap3A_161], %mul3A_160 {strides = array<i32>} : memref<128xf32, #tpu.memory_space<vmem>>, vector<16xf32>,
      %swap3A_163 = arith.constant 96 : index
      %swap3A_164 = tpu.vector_load %arg17[%swap3A_163] {strides = array<i32>} : memref<128xf32, #tpu.memory_space<vmem>>, vector<16xf32>,
      tpu.vector_store %arg17[%swap3A_163], %exp3A_159 {strides = array<i32>} : memref<128xf32, #tpu.memory_space<vmem>>, vector<16xf32>,
      %get3A_165 = arith.constant 112 : index
      %get3A_166 = tpu.vector_load %arg15[%get3A_165] {strides = array<i32>} : memref<128xi32, #tpu.memory_space<vmem>>, vector<16xi32>,
      %gather3A_167 = tpu.vector_load_idx %arg16[%get3A_166] : memref<100000xf32, #tpu.memory_space<vmem>>[vector<16xi32>], vector<16xf32>,
      %get3A_168 = arith.constant 112 : index
      %get3A_169 = tpu.vector_load %arg12[%get3A_168] {strides = array<i32>} : memref<128xf32, #tpu.memory_space<vmem>>, vector<16xf32>,
      %mul3A_170 = arith.mulf %get3A_169, %gather3A_167 : vector<16xf32>
      %sub3A_171 = arith.constant 1.000000e+00 : f32
      %sub3A_172 = vector.broadcast %sub3A_171 : f32 to vector<16xf32>
      %sub3A_173 = arith.subf %sub3A_172, %get3A_169 : vector<16xf32>
      %mul3A_174 = arith.constant 5.000000e-01 : f32
      %mul3A_175 = vector.broadcast %mul3A_174 : f32 to vector<16xf32>
      %mul3A_176 = arith.mulf %sub3A_173, %mul3A_175 : vector<16xf32>
      %add3A_177 = arith.addf %mul3A_170, %mul3A_176 : vector<16xf32>
      %mul3A_178 = arith.mulf %get3A_11, %add3A_177 : vector<16xf32>
      %exp3A_179 = math.exp %mul3A_178 : vector<16xf32>
      %mul3A_180 = arith.mulf %exp3A_179, %add3A_177 : vector<16xf32>
      %swap3A_181 = arith.constant 112 : index
      %swap3A_182 = tpu.vector_load %arg18[%swap3A_181] {strides = array<i32>} : memref<128xf32, #tpu.memory_space<vmem>>, vector<16xf32>,
      tpu.vector_store %arg18[%swap3A_181], %mul3A_180 {strides = array<i32>} : memref<128xf32, #tpu.memory_space<vmem>>, vector<16xf32>,
      %swap3A_183 = arith.constant 112 : index
      %swap3A_184 = tpu.vector_load %arg17[%swap3A_183] {strides = array<i32>} : memref<128xf32, #tpu.memory_space<vmem>>, vector<16xf32>,
      tpu.vector_store %arg17[%swap3A_183], %exp3A_179 {strides = array<i32>} : memref<128xf32, #tpu.memory_space<vmem>>, vector<16xf32>,
      "tpu.region"() ({
        %run_scoped3A = tpu.sem_alloc : memref<!tpu.dma_semaphore, #tpu.memory_space<semaphore_mem>>
        %dma_start3A = arith.constant 0 : i32
        %dma_start3A_185 = tpu.memref_slice %arg14[%dma_start3A] : memref<100352xf32, #tpu.memory_space<vmem_shared>> -> memref<100352xf32, #tpu.memory_space<vmem_shared>>
        tpu.enqueue_indirect_dma source(%arg18 : memref<128xf32, #tpu.memory_space<vmem>>) target(%dma_start3A_185 : memref<100352xf32, #tpu.memory_space<vmem_shared>>) offsets(%arg13 : memref<128xi32, #tpu.memory_space<vmem>>) semaphore(%run_scoped3A : memref<!tpu.dma_semaphore, #tpu.memory_space<semaphore_mem>>) {add = true}
        %dma_wait3A = arith.constant 0 : i32
        %dma_wait3A_186 = tpu.memref_slice %arg14[%dma_wait3A] : memref<100352xf32, #tpu.memory_space<vmem_shared>> -> memref<100352xf32, #tpu.memory_space<vmem_shared>>
        tpu.wait_indirect_dma semaphore(%run_scoped3A : memref<!tpu.dma_semaphore, #tpu.memory_space<semaphore_mem>>) src(%arg18 : memref<128xf32, #tpu.memory_space<vmem>>) dst(%dma_wait3A_186 : memref<100352xf32, #tpu.memory_space<vmem_shared>>)
        tpu.yield
      }) : () -> ()
      "tpu.region"() ({
        %run_scoped3A = tpu.sem_alloc : memref<!tpu.dma_semaphore, #tpu.memory_space<semaphore_mem>>
        %dma_start3A = arith.constant 0 : i32
        %dma_start3A_185 = tpu.memref_slice %arg11[%dma_start3A] : memref<100352xf32, #tpu.memory_space<vmem_shared>> -> memref<100352xf32, #tpu.memory_space<vmem_shared>>
        tpu.enqueue_indirect_dma source(%arg17 : memref<128xf32, #tpu.memory_space<vmem>>) target(%dma_start3A_185 : memref<100352xf32, #tpu.memory_space<vmem_shared>>) offsets(%arg13 : memref<128xi32, #tpu.memory_space<vmem>>) semaphore(%run_scoped3A : memref<!tpu.dma_semaphore, #tpu.memory_space<semaphore_mem>>) {add = true}
        %dma_wait3A = arith.constant 0 : i32
        %dma_wait3A_186 = tpu.memref_slice %arg11[%dma_wait3A] : memref<100352xf32, #tpu.memory_space<vmem_shared>> -> memref<100352xf32, #tpu.memory_space<vmem_shared>>
        tpu.wait_indirect_dma semaphore(%run_scoped3A : memref<!tpu.dma_semaphore, #tpu.memory_space<semaphore_mem>>) src(%arg17 : memref<128xf32, #tpu.memory_space<vmem>>) dst(%dma_wait3A_186 : memref<100352xf32, #tpu.memory_space<vmem_shared>>)
        tpu.yield
      }) : () -> ()
    }
    %scan3A_15 = arith.constant 782 : i32
    %barrier3A_16 = arith.constant 0 : index
    tpu.barrier barrier_id(%barrier3A_16)
    %mul3A_17 = arith.constant 6272 : i32
    %mul3A_18 = arith.muli %arg1, %mul3A_17 : i32
    %mul3A_19 = arith.constant 6272 : i32
    %mul3A_20 = arith.muli %arg1, %mul3A_19 : i32
    "tpu.region"() ({
      %run_scoped3A = tpu.sem_alloc : memref<!tpu.dma_semaphore, #tpu.memory_space<semaphore_mem>>
      %dma_start3A = tpu.memref_slice %arg8[%arg0, %mul3A_20] : memref<2x100352xf32, #tpu.memory_space<hbm>> -> memref<1x6272xf32, #tpu.memory_space<hbm>>
      %dma_start3A_25 = tpu.memref_squeeze %dma_start3A : memref<1x6272xf32, #tpu.memory_space<hbm>> -> memref<6272xf32, #tpu.memory_space<hbm>>
      %dma_start3A_26 = tpu.memref_slice %arg14[%mul3A_18] : memref<100352xf32, #tpu.memory_space<vmem_shared>> -> memref<6272xf32, #tpu.memory_space<vmem_shared>>
      tpu.enqueue_dma source(%dma_start3A_26 : memref<6272xf32, #tpu.memory_space<vmem_shared>>) target(%dma_start3A_25 : memref<6272xf32, #tpu.memory_space<hbm>>) target_semaphore(%run_scoped3A : memref<!tpu.dma_semaphore, #tpu.memory_space<semaphore_mem>>)
      %dma_wait3A = tpu.memref_slice %arg8[%arg0, %mul3A_20] : memref<2x100352xf32, #tpu.memory_space<hbm>> -> memref<1x6272xf32, #tpu.memory_space<hbm>>
      %dma_wait3A_27 = tpu.memref_squeeze %dma_wait3A : memref<1x6272xf32, #tpu.memory_space<hbm>> -> memref<6272xf32, #tpu.memory_space<hbm>>
      %dma_wait3A_28 = tpu.memref_slice %arg14[%mul3A_18] : memref<100352xf32, #tpu.memory_space<vmem_shared>> -> memref<6272xf32, #tpu.memory_space<vmem_shared>>
      tpu.wait_dma2 semaphore(%run_scoped3A : memref<!tpu.dma_semaphore, #tpu.memory_space<semaphore_mem>>) src(%dma_wait3A_28 : memref<6272xf32, #tpu.memory_space<vmem_shared>>) dst(%dma_wait3A_27 : memref<6272xf32, #tpu.memory_space<hbm>>)
      tpu.yield
    }) : () -> ()
    %mul3A_21 = arith.constant 6272 : i32
    %mul3A_22 = arith.muli %arg1, %mul3A_21 : i32
    %mul3A_23 = arith.constant 6272 : i32
    %mul3A_24 = arith.muli %arg1, %mul3A_23 : i32
    "tpu.region"() ({
      %run_scoped3A = tpu.sem_alloc : memref<!tpu.dma_semaphore, #tpu.memory_space<semaphore_mem>>
      %dma_start3A = tpu.memref_slice %arg9[%arg0, %mul3A_24] : memref<2x100352xf32, #tpu.memory_space<hbm>> -> memref<1x6272xf32, #tpu.memory_space<hbm>>
      %dma_start3A_25 = tpu.memref_squeeze %dma_start3A : memref<1x6272xf32, #tpu.memory_space<hbm>> -> memref<6272xf32, #tpu.memory_space<hbm>>
      %dma_start3A_26 = tpu.memref_slice %arg11[%mul3A_22] : memref<100352xf32, #tpu.memory_space<vmem_shared>> -> memref<6272xf32, #tpu.memory_space<vmem_shared>>
      tpu.enqueue_dma source(%dma_start3A_26 : memref<6272xf32, #tpu.memory_space<vmem_shared>>) target(%dma_start3A_25 : memref<6272xf32, #tpu.memory_space<hbm>>) target_semaphore(%run_scoped3A : memref<!tpu.dma_semaphore, #tpu.memory_space<semaphore_mem>>)
      %dma_wait3A = tpu.memref_slice %arg9[%arg0, %mul3A_24] : memref<2x100352xf32, #tpu.memory_space<hbm>> -> memref<1x6272xf32, #tpu.memory_space<hbm>>
      %dma_wait3A_27 = tpu.memref_squeeze %dma_wait3A : memref<1x6272xf32, #tpu.memory_space<hbm>> -> memref<6272xf32, #tpu.memory_space<hbm>>
      %dma_wait3A_28 = tpu.memref_slice %arg11[%mul3A_22] : memref<100352xf32, #tpu.memory_space<vmem_shared>> -> memref<6272xf32, #tpu.memory_space<vmem_shared>>
      tpu.wait_dma2 semaphore(%run_scoped3A : memref<!tpu.dma_semaphore, #tpu.memory_space<semaphore_mem>>) src(%dma_wait3A_28 : memref<6272xf32, #tpu.memory_space<vmem_shared>>) dst(%dma_wait3A_27 : memref<6272xf32, #tpu.memory_space<hbm>>)
      tpu.yield
    }) : () -> ()
    return
  }
}

module attributes {stable_mosaic.version = 14 : i64} {
  func.func @_tc_finalize_kernel(%arg0: memref<1x1xf32, #tpu.memory_space<smem>>, %arg1: memref<2x784x128xf32, #tpu.memory_space<vmem>>, %arg2: memref<2x784x128xf32, #tpu.memory_space<vmem>>, %arg3: memref<1x1xf32, #tpu.memory_space<vmem>>) attributes {dimension_semantics = [], scalar_prefetch = 0 : i64, scratch_operands = 0 : i64, tpu.core_type = #tpu.core_type<tc>} {
    %get3A = arith.constant 0 : index
    %get3A_0 = arith.constant 0 : index
    %get3A_1 = arith.constant 0 : index
    %get3A_2 = vector.load %arg1[%get3A, %get3A_0, %get3A_1] : memref<2x784x128xf32, #tpu.memory_space<vmem>>, vector<1x784x128xf32>
    %get3A_3 = vector.shape_cast %get3A_2 : vector<1x784x128xf32> to vector<784x128xf32>
    %get3A_4 = arith.constant 1 : index
    %get3A_5 = arith.constant 0 : index
    %get3A_6 = arith.constant 0 : index
    %get3A_7 = vector.load %arg1[%get3A_4, %get3A_5, %get3A_6] : memref<2x784x128xf32, #tpu.memory_space<vmem>>, vector<1x784x128xf32>
    %get3A_8 = vector.shape_cast %get3A_7 : vector<1x784x128xf32> to vector<784x128xf32>
    %add3A = arith.addf %get3A_3, %get3A_8 : vector<784x128xf32>
    %get3A_9 = arith.constant 0 : index
    %get3A_10 = arith.constant 0 : index
    %get3A_11 = arith.constant 0 : index
    %get3A_12 = vector.load %arg2[%get3A_9, %get3A_10, %get3A_11] : memref<2x784x128xf32, #tpu.memory_space<vmem>>, vector<1x784x128xf32>
    %get3A_13 = vector.shape_cast %get3A_12 : vector<1x784x128xf32> to vector<784x128xf32>
    %get3A_14 = arith.constant 1 : index
    %get3A_15 = arith.constant 0 : index
    %get3A_16 = arith.constant 0 : index
    %get3A_17 = vector.load %arg2[%get3A_14, %get3A_15, %get3A_16] : memref<2x784x128xf32, #tpu.memory_space<vmem>>, vector<1x784x128xf32>
    %get3A_18 = vector.shape_cast %get3A_17 : vector<1x784x128xf32> to vector<784x128xf32>
    %add3A_19 = arith.addf %get3A_13, %get3A_18 : vector<784x128xf32>
    %get3A_20 = arith.constant 0 : index
    %get3A_21 = arith.constant 0 : index
    %get3A_22 = memref.load %arg0[%get3A_20, %get3A_21] : memref<1x1xf32, #tpu.memory_space<smem>>
    %max3A = vector.broadcast %get3A_22 : f32 to vector<784x128xf32>
    %max3A_23 = arith.maximumf %add3A, %max3A : vector<784x128xf32>
    %div3A = arith.divf %add3A_19, %max3A_23 : vector<784x128xf32>
    %sub3A = arith.constant 1.000000e+00 : f32
    %sub3A_24 = vector.broadcast %sub3A : f32 to vector<784x128xf32>
    %sub3A_25 = arith.subf %div3A, %sub3A_24 : vector<784x128xf32>
    %mul3A = arith.mulf %sub3A_25, %sub3A_25 : vector<784x128xf32>
    %mul3A_26 = arith.mulf %mul3A, %mul3A : vector<784x128xf32>
    %mul3A_27 = arith.mulf %mul3A_26, %sub3A_25 : vector<784x128xf32>
    %add3A_28 = arith.constant 1.000000e+00 : f32
    %add3A_29 = vector.broadcast %add3A_28 : f32 to vector<784x128xf32>
    %add3A_30 = arith.addf %add3A_29, %mul3A_27 : vector<784x128xf32>
    %max3A_31 = vector.broadcast %get3A_22 : f32 to vector<784x128xf32>
    %max3A_32 = arith.maximumf %add3A_30, %max3A_31 : vector<784x128xf32>
    %log3A = math.log %max3A_32 : vector<784x128xf32>
    %iota3A = tpu.iota {dimensions = array<i32: 0>} : vector<784x128xi32>
    %iota3A_33 = tpu.iota {dimensions = array<i32: 1>} : vector<784x128xi32>
    %mul3A_34 = arith.constant 128 : i32
    %mul3A_35 = vector.broadcast %mul3A_34 : i32 to vector<784x128xi32>
    %mul3A_36 = arith.muli %iota3A, %mul3A_35 : vector<784x128xi32>
    %add3A_37 = arith.addi %mul3A_36, %iota3A_33 : vector<784x128xi32>
    %lt3A = arith.constant 100000 : i32
    %lt3A_38 = vector.broadcast %lt3A : i32 to vector<784x128xi32>
    %lt3A_39 = arith.cmpi slt, %add3A_37, %lt3A_38 : vector<784x128xi32>
    %jit3A = arith.constant 0.000000e+00 : f32
    %broadcast_in_dim3A = vector.broadcast %jit3A : f32 to vector<784x128xf32>
    %select_n3A = arith.select %lt3A_39, %log3A, %broadcast_in_dim3A : vector<784x128xi1>, vector<784x128xf32>
    %reduce_sum3A = vector.shape_cast %select_n3A : vector<784x128xf32> to vector<1x784x128xf32>
    %reduce_sum3A_40 = arith.constant dense<0.000000e+00> : vector<1xf32>
    %reduce_sum3A_41 = vector.multi_reduction <add>, %reduce_sum3A, %reduce_sum3A_40 [1, 2] : vector<1x784x128xf32> to vector<1xf32>
    %reduce_sum3A_42 = vector.shape_cast %reduce_sum3A_41 : vector<1xf32> to vector<1x1x1xf32>
    %reduce_sum3A_43 = vector.extract %reduce_sum3A_42[0, 0, 0] : f32 from vector<1x1x1xf32>
    %div3A_44 = arith.constant 1.000000e+05 : f32
    %div3A_45 = arith.divf %reduce_sum3A_43, %div3A_44 : f32
    %reshape3A = vector.broadcast %div3A_45 : f32 to vector<1x1xf32>
    %swap3A = arith.constant 0 : index
    %swap3A_46 = arith.constant 0 : index
    %swap3A_47 = vector.load %arg3[%swap3A, %swap3A_46] : memref<1x1xf32, #tpu.memory_space<vmem>>, vector<1x1xf32>
    tpu.vector_store %arg3[%swap3A, %swap3A_46], %reshape3A {strides = array<i32>} : memref<1x1xf32, #tpu.memory_space<vmem>>, vector<1x1xf32>,
    return
  }
}

</mosaic_0001>

<sc_bundles>
// kernel: kernel.4.cloned.1.call-start
scs
__scs_entry_jumppad:
0x0: {  	(pc) =	sbr.rel $0x88, $3  }
0x1: {  	(tag) =	ssettag $0x0;
	lr =	simm.s32 $0x1  }
0x2: {  	[smem:$0x3F9C] =	sst lr;
	_ =	strace $0xD0000000  }
0x3: {  	_ = 	snop  }
0x4: {  	_ = 	snop  }
0x5: {  	_ = 	snop  }
0x6: {  	_ = 	snop  }
0x7: {  	_ = 	snop  }
__scs_overlays_trampoline_lowered:
0x8: {  	[smem:$0x3FAB] =	sst s0  }
0x9: {  	[smem:$0x3FAC] =	sst s1  }
0xa: {  	[smem:$0x3FAD] =	sst s2  }
0xb: {  	[smem:$0x3FAE] =	sst s3  }
0xc: {  	[smem:$0x3FAF] =	sst s4  }
0xd: {  	[smem:$0x3FB0] =	sst s5  }
0xe: {  	[smem:$0x3FB1] =	sst s6  }
0xf: {  	[smem:$0x3FB2] =	sst s7  }
0x10: {  	[smem:$0x3FB3] =	sst s8  }
0x11: {  	[smem:$0x3FB4] =	sst s9;
	s0 =	simm.s32 @!p0 $0x0  }
0x12: {  	s1 =	sld [smem:$0x3F9A];
	s0 =	simm.s32 @p0 $0x1  }
0x13: {  	[smem:$0x3FB5] =	sst s0;
	s0 =	simm.s32 @!p1 $0x0  }
0x14: {  	s2 =	sld [smem:$0x3F99];
	s0 =	simm.s32 @p1 $0x1  }
0x15: {  	[smem:$0x3FB6] =	sst s0;
	s0 =	simm.s32 @!p2 $0x0  }
0x16: {  	s3 =	sld [smem:$0x3FDB];
	s0 =	simm.s32 @p2 $0x1  }
0x17: {  	s4 =	simm.s32 $0x1BF5;
	[smem:$0x3FB8] =	sst s0  }
0x18: {  	s0 =	sld [smem:$0x3F9B];
	_ =	swait.ge [sflag:s4], $0x0  }
0x19: {  	s7 =	sld [smem:$0x3F9C]  }
0x1a: {  	s8 =	sadd.s32 $0xFFFFE003, lr  }
0x1b: {  	s9 =	sadd.s32 $0xFFFFFEF7, lr;
	s5 =	simm.s32 $0xFFFFFFFF;
	p2 =	slt.u32 s8, $0xFFFFF086  }
0x1c: {  	p1 =	slt.u32 s9, $0xF7A;
	s5 =	simm.s32 @!p2 $0x0  }
0x1d: {  	s5 =	simm.s32 @p1 $0x1;
	p0 =	seq.s32 s7, s2  }
0x1e: {  	s7 =	smul.u32 @!p0 $0xF7A, s2;
	p2 =	seq.s32 @!p0 s5, $0x0  }
0x1f: {  	s9 =	smul.u32 $0xF7A, s1;
	s8 =	simm.s32 @!p0 $0x1BF5;
	p2 =	por !p2, p0  }
0x20: {  	[sflag:s8] =	ssyncset.s32 @!p0 $0xFFFFF086;
	s6 =	sadd.s32 @!p0 s3, s7;
	s7 =	simm.s32 @!p0 $0x108  }
0x21: {  	s3 =	sadd.s32 s3, s9;
	s6 =	sadd.s32 @!p0 $0x88, s6;
	s7 =	simm.s32 @p2 $0x1082  }
0x22: {  	[simem:s7], [sflag:s8] =	dma.local @!p0 [hbm:s6], $0xF7A  }
0x23: {  	s9 =	sor.u32 $0xD0000000, s2;
	s6 =	simm.s32 $0x108;
	_ =	swait.ge @!p0 [sflag:s8], $0x0  }
0x24: {  	s3 =	sadd.s32 $0x88, s3;
	s6 =	simm.s32 @!p1 $0x1082;
	[sflag:s4] =	ssyncset.s32 $0xFFFFF086  }
0x25: {  	[simem:s6], [sflag:s4] =	dma.local [hbm:s3], $0xF7A  }
0x26: {  	[smem:$0x3F9C] =	sst s1;
	(tag) =	ssettag s2;
	_ =	strace s9  }
0x27: {  	s1 =	sld [smem:$0x3FAC]  }
0x28: {  	s2 =	sld [smem:$0x3FAD]  }
0x29: {  	s4 =	sld [smem:$0x3FAF]  }
0x2a: {  	p0 =	seq.s32 s5, $0x0;
	s5 =	sld [smem:$0x3FB0]  }
0x2b: {  	s6 =	sld [smem:$0x3FB1]  }
0x2c: {  	s7 =	sld [smem:$0x3FB2]  }
0x2d: {  	s3 =	simm.s32 $0x108;
	s8 =	sld [smem:$0x3FB3]  }
0x2e: {  	s3 =	simm.s32 @!p0 $0x1082;
	s9 =	sld [smem:$0x3FB4]  }
0x2f: {  	lr =	sadd.s32 s0, s3;
	s0 =	sld [smem:$0x3FAB]  }
0x30: {  	s3 =	sld [smem:$0x3FAE]  }
0x31: {  	[smem:$0x3FB7] =	sst s10  }
0x32: {  	s10 =	sld [smem:$0x3FB5];
	_ =	sdelay $0x3  }
0x33: {  	p0 =	seq.s32 s10, $0x1;
	s10 =	sld [smem:$0x3FB7];
	_ =	sdelay $0x3  }
0x34: {  	[smem:$0x3FB7] =	sst s10  }
0x35: {  	s10 =	sld [smem:$0x3FB6];
	_ =	sdelay $0x3  }
0x36: {  	p1 =	seq.s32 s10, $0x1;
	s10 =	sld [smem:$0x3FB7];
	_ =	sdelay $0x3  }
0x37: {  	[smem:$0x3FB7] =	sst s10  }
0x38: {  	s10 =	sld [smem:$0x3FB8]  }
0x39: {  	_ = 	snop;
	(pc) =	sbr.ind lr, $3  }
0x3a: {  	_ = 	snop  }
0x3b: {  	_ = 	snop  }
0x3c: {  	p2 =	seq.s32 s10, $0x1;
	s10 =	sld [smem:$0x3FB7]  }
0x3d: {  	_ =	shalt  }
0x3e: {  	_ =	shalt  }
0x3f: {  	_ =	shalt  }
0x40: {  	_ =	shalt  }
0x41: {  	_ =	shalt  }
0x42: {  	_ =	shalt  }
0x43: {  	_ =	shalt  }
0x44: {  	_ =	shalt  }
0x45: {  	_ =	shalt  }
0x46: {  	_ =	shalt  }
0x47: {  	_ =	shalt  }
0x48: {  	_ =	shalt  }
0x49: {  	_ =	shalt  }
0x4a: {  	_ =	shalt  }
0x4b: {  	_ =	shalt  }
0x4c: {  	_ =	shalt  }
0x4d: {  	_ =	shalt  }
0x4e: {  	_ =	shalt  }
0x4f: {  	_ =	shalt  }
0x50: {  	_ =	shalt  }
0x51: {  	_ =	shalt  }
0x52: {  	_ =	shalt  }
0x53: {  	_ =	shalt  }
0x54: {  	_ =	shalt  }
0x55: {  	_ =	shalt  }
0x56: {  	_ =	shalt  }
0x57: {  	_ =	shalt  }
0x58: {  	_ =	shalt  }
0x59: {  	_ =	shalt  }
0x5a: {  	_ =	shalt  }
0x5b: {  	_ =	shalt  }
0x5c: {  	_ =	shalt  }
0x5d: {  	_ =	shalt  }
0x5e: {  	_ =	shalt  }
0x5f: {  	_ =	shalt  }
0x60: {  	_ =	shalt  }
0x61: {  	_ =	shalt  }
0x62: {  	_ =	shalt  }
0x63: {  	_ =	shalt  }
0x64: {  	_ =	shalt  }
0x65: {  	_ =	shalt  }
0x66: {  	_ =	shalt  }
0x67: {  	_ =	shalt  }
0x68: {  	_ =	shalt  }
0x69: {  	_ =	shalt  }
0x6a: {  	_ =	shalt  }
0x6b: {  	_ =	shalt  }
0x6c: {  	_ =	shalt  }
0x6d: {  	_ =	shalt  }
0x6e: {  	_ =	shalt  }
0x6f: {  	_ =	shalt  }
0x70: {  	_ =	shalt  }
0x71: {  	_ =	shalt  }
0x72: {  	_ =	shalt  }
0x73: {  	_ =	shalt  }
0x74: {  	_ =	shalt  }
0x75: {  	_ =	shalt  }
0x76: {  	_ =	shalt  }
0x77: {  	_ =	shalt  }
0x78: {  	_ =	shalt  }
0x79: {  	_ =	shalt  }
0x7a: {  	_ =	shalt  }
0x7b: {  	_ =	shalt  }
0x7c: {  	_ =	shalt  }
0x7d: {  	_ =	shalt  }
0x7e: {  	_ =	shalt  }
0x7f: {  	_ =	shalt  }
0x80: {  	_ =	shalt  }
0x81: {  	_ =	shalt  }
0x82: {  	_ =	shalt  }
0x83: {  	_ =	shalt  }
0x84: {  	_ =	shalt  }
0x85: {  	_ =	shalt  }
0x86: {  	_ =	shalt  }
0x87: {  	_ =	shalt  }
.Lfunc_end0:
.L_simem_size_0:
called_computation_lowered:
.L_overlay_start_0:
0x88: {  	s2 =	sld [smem:$0x3FD9]  }
0x89: {  	s3 =	sld [smem:$0x3FFE];
	_ =	sdelay $0x1  }
0x8a: {  	s1 =	srdreg.scid  }
0x8b: {  	s0 =	sand.u32 $0x1, s1  }
0x8c: {  	s16 =	sshll.u32 s0, $0xA;
	s2 =	sadd.s32 s3, s2  }
0x8d: {  	s2 =	sadd.s32 s2, s16  }
0x8e: {  	[smem:$0x3FC3] =	sst s2  }
0x8f: {  	_ = 	snop  }
0x90: {  	(tm) =	ssettm $0x1  }
0x91: {  	s17 =	sld [smem:$0x3FFB];
	_ =	sdelay $0x3  }
0x92: {  	_ =	strace s17  }
0x93: {  	s2 =	sld [smem:$0x3FFC];
	_ =	sdelay $0x3  }
0x94: {  	_ =	strace s2  }
0x95: {  	s2 =	sld [smem:$0x3FFD];
	_ =	sdelay $0x3  }
0x96: {  	_ =	strace s2  }
0x97: {  	_ =	strace $0x8FFFFFFF  }
0x98: {  	s18 =	sld [smem:$0x3FDB];
	_ =	sdelay $0x1  }
0x99: {  	s19 =	simm.s32 $_scs_section_size  }
0x9a: {  	s4 =	simm.s32 $_size__tile_overlayer_lowered;
	s5 =	simm.s32 $_tile_overlayer_lowered  }
0x9b: {  	s22 =	simm.s32 $0x1BFF;
	s21 =	sshll.u32 s5, $0x1;
	s2 =	sadd.s32 s19, s18  }
0x9c: {  	s6 =	simm.s32 $0x0;
	s20 =	sshll.u32 s4, $0x1;
	s4 =	sadd.s32 s21, s2  }
0x9d: {  	[timem:s6], [sflag:s22] =	dma.local [hbm:s4], s20  }
0x9e: {  	_ =	swait.ge [sflag:s22], s20  }
0x9f: {  	s3 =	ssub.s32 $0x0, s20;
	[sflag:s22] =	ssyncset.done $0x0  }
0xa0: {  	[sflag:s22] =	ssyncadd.s32 s3;
	_ =	sdelay $0x1  }
0xa1: {  	s23 =	simm.s32 $0x1B8B  }
0xa2: {  	_ =	swait.ge [sflag:s23], $0x1  }
0xa3: {  	[sflag:s23] =	ssyncset.done $0x0  }
0xa4: {  	s25 =	simm.s32 $0x1B8E;
	s24 =	sld [smem:$0x3FFE];
	[sflag:s23] =	ssyncadd.s32 $0xFFFFFFFF  }
0xa5: {  	s26 =	simm.s32 $execute0_lowered;
	[smem:$0x3FD2] =	sst s25  }
0xa6: {  	s4 =	sshll.u32 s26, $0x1;
	_ =	strace $0x80000046;
	[dreg:$0x1] =	wrdreg $0xFFFFFFFF  }
0xa7: {  	s28 =	simm.s32 $_size_execute0_lowered;
	s2 =	sadd.s32 s2, s4;
	[dreg:$0x0] =	wrdreg $0x0  }
0xa8: {  	s4 =	sshll.u32 s28, $0x1;
	[dreg:$0x2] =	wrdreg s2  }
0xa9: {  	[dreg:$0x3] =	wrdreg s4  }
0xaa: {  	[dreg:$0x4] =	wrdreg $0xC0  }
0xab: {  	_ =	task [dreg:s6], $0x5FFFF  }
0xac: {  	[dreg:$0x1] =	wrdreg $0xFFFFFFFF  }
0xad: {  	[dreg:$0x0] =	wrdreg $0x60  }
0xae: {  	[dreg:$0x2] =	wrdreg s24  }
0xaf: {  	[dreg:$0x3] =	wrdreg $0x1A000  }
0xb0: {  	[dreg:$0x4] =	wrdreg $0x800  }
0xb1: {  	[dreg:$0x5] =	wrdreg $0x9  }
0xb2: {  	_ =	task.clear_ibuf [dreg:s6], $0x6FFFF;
	_ =	strace $0x90000046  }
0xb3: {  	s29 =	simm.s32 $0x9;
	_ =	strace $0x80000048  }
0xb4: {  	_ =	swait.ge [sflag:s29], $0x1  }
0xb5: {  	[sflag:s29] =	ssyncadd.s32 $0xFFFFFFFF  }
0xb6: {  	_ =	strace $0x90000048  }
0xb7: {  	_ =	sfence  }
0xb8: {  	s30 =	sld [smem:$0x0];
	_ =	sdelay $0x2  }
0xb9: {  	s31 =	sshll.u32 s1, $0xD;
	s1 =	sshrl.u32 s1, $0x2  }
0xba: {  	s3 =	sand.u32 $0x4000, s31;
	s1 =	sadd.s32 s1, s30  }
0xbb: {  	s0 =	sor.u32 s3, s0;
	s1 =	sshll.u32 s1, $0x11  }
0xbc: {  	s0 =	sor.u32 s1, s0  }
0xbd: {  	s0 =	sadd.s32 $0x8F2B, s0  }
0xbe: {  	[sflag:s0] =	ssyncadd.remote.s32 $0x1  }
0xbf: {  	_ =	sfence.sel $0xFFFF  }
0xc0: {  	[dreg:$0x0] =	wrdreg $0xFFFFFFFF;
	(pc) =	sbr.abs _section_cstart, $3  }
0xc1: {  	[dreg:$0x1] =	wrdreg $0xFFFFFFFF  }
0xc2: {  	_ =	task.clear_ibuf [dreg:s6], $0x2FFFF;
	_ =	strace $0x9FFFFFFF  }
0xc3: {  	(tm) =	ssettm $0x7FFFFFFF  }
tec
execute0_lowered:
.L_overlay_start_1:
0x0: {  	(tag) =	ssettag $0x1  }
0x1: {  	s7 =	rddreg [dreg:$0x0]  }
0x2: {  	s1 =	rddreg [dreg:$0x1]  }
0x3: {  	s3 =	rddreg [dreg:$0x2];
	s4 =	simm.s32 $0x0;
	s0 =	stileid.u32  }
0x4: {  	s5 =	srdreg.scid;
	s15 =	simm.s32 $0x1;
	s19 =	simm.s32 $0x3280  }
0x5: {  	s20 =	simm.s32 $0x1980;
	s21 =	simm.s32 $0x1900;
	s22 =	simm.s32 $0x80  }
0x6: {  	s23 =	simm.s32 $0x1BA80;
	s24 =	simm.s32 $0x1BA00;
	s25 =	simm.s32 $0x20  }
0x7: {  	s26 =	simm.s32 $0x10;
	s28 =	simm.s32 $0x0;
	s6 =	smul.u32 $0x61C0, s0  }
0x8: {  	[smem:$0x7FF] =	sst s4;
	s8 =	sand.u32 $0x1, s5;
	s9 =	smul.u32 $0x3100, s0  }
0x9: {  	s5 =	sadd.s32 $0x126E00, s7;
	s10 =	smul.u32 $0x1880, s0;
	s16 =	sshll.u32 s0, $0x6  }
0xa: {  	_ =	strace $0x80000047;
	s11 =	sshll.u32 s8, $0x7;
	s13 =	ssub.s32 $0x2, s8  }
0xb: {  	s14 =	smul.u32 $0x30E0, s8;
	s16 =	sor.u32 $0x1C01, s16;
	s12 =	sadd.s32 s6, s7  }
0xc: {  	s6 =	sadd.s32 $0x12A000, s7;
	s9 =	sor.u32 s11, s9;
	s29 =	sshrl.u32 s10, $0x3  }
0xd: {  	s30 =	sshrl.u32 s13, $0x1;
	s17 =	sadd.s32 s10, s1;
	s18 =	sadd.s32 s10, s3  }
0xe: {  	s9 =	sshrl.u32 s9, $0x3;
	s11 =	sadd.s32 s29, s7;
	s13 =	ssub.s32 s13, s30  }
0xf: {  	s31 =	sadd.s32 s14, s12;
	s14 =	simm.s32 $0x3300;
	s17 =	sshrl.u32 s17, $0x3  }
0x10: {  	s9 =	sadd.s32 s9, s7;
	s7 =	sadd.s32 $0x12A200, s11;
	s10 =	smax.u32 s13, $0x1  }
0x11: {  	s11 =	sadd.s32 $0xC5200, s31;
	s12 =	sadd.s32 $0x63600, s31;
	s13 =	sadd.s32 $0x1A00, s31  }
0x12: {  	s18 =	sshrl.u32 s18, $0x3;
	s8 =	sadd.s32 $0x12D400, s9;
	s9 =	sadd.s32 $0x133600, s9  }
.LBB2_1:
0x13: {  	[tilespmem:s14], [sflag:$0x1] =	stream.linear.gather [hbm4b:s5+s4], $0x18700, $0x38;
	[tilespmem:$0x1BB00] =	vst v63  }
0x14: {  	_ =	swait.ge [sflag:s15], $0x18700  }
0x15: {  	[sflag:s15] =	ssyncset.done $0x0  }
0x16: {  	[sflag:s15] =	ssyncadd.s32 $0xFFFE7900  }
0x17: {  	[tilespmem:s4], [sflag:$0x1] =	stream.linear.gather [hbm4b:s6+s4], $0x80, $0x38;
	[tilespmem:$0x1BB00] =	vst v63  }
0x18: {  	_ =	swait.ge [sflag:s15], $0x80  }
0x19: {  	[sflag:s15] =	ssyncset.done $0x0  }
0x1a: {  	[sflag:s15] =	ssyncadd.s32 $0xFFFFFF80  }
0x1b: {  	[spmem:s17], [sflag:s16] =	dma.local [hbm:s7], $0x310  }
0x1c: {  	_ =	swait.ge [sflag:s15], $0x310  }
0x1d: {  	[sflag:s15] =	ssyncset.done $0x0  }
0x1e: {  	[sflag:s15] =	ssyncadd.s32 $0xFFFFFCF0  }
0x1f: {  	[spmem:s18], [sflag:s16] =	dma.local [hbm:s7], $0x310  }
0x20: {  	_ =	swait.ge [sflag:s15], $0x310  }
0x21: {  	[sflag:s15] =	ssyncset.done $0x0  }
0x22: {  	[sflag:s15] =	ssyncadd.s32 $0xFFFFFCF0  }
0x23: {  	s29 =	sadd.s32 $0x0, s13;
	[bflag:$0x0] =	sbarrier.arrive $0xFFFF  }
0x24: {  	v0 =	vld [tilespmem:$0x0];
	[tilespmem:s19], [sflag:$0x1] =	stream.linear.gather [hbm4b:s29+s4], $0x80, $0x38  }
0x25: {  	_ =	swait.ge [sflag:s15], $0x80  }
0x26: {  	[sflag:s15] =	ssyncset.done $0x0  }
0x27: {  	s29 =	sadd.s32 $0x0, s12;
	[sflag:s15] =	ssyncadd.s32 $0xFFFFFF80  }
0x28: {  	[tilespmem:s20], [sflag:$0x1] =	stream.linear.gather [hbm4b:s29+s4], $0x80, $0x38;
	[tilespmem:$0x1BB00] =	vst v63  }
0x29: {  	_ =	swait.ge [sflag:s15], $0x80  }
0x2a: {  	[sflag:s15] =	ssyncset.done $0x0  }
0x2b: {  	s29 =	sadd.s32 $0x0, s11;
	[sflag:s15] =	ssyncadd.s32 $0xFFFFFF80  }
0x2c: {  	[tilespmem:s21], [sflag:$0x1] =	stream.linear.gather [hbm4b:s29+s4], $0x80, $0x38;
	[tilespmem:$0x1BB00] =	vst v63  }
0x2d: {  	_ =	swait.ge [sflag:s15], $0x80  }
0x2e: {  	[sflag:s15] =	ssyncset.done $0x0  }
0x2f: {  	[sflag:s15] =	ssyncadd.s32 $0xFFFFFF80  }
0x30: {  	v1 =	vld [tilespmem:$0x3280];
	_ =	sdelay $0x5  }
0x31: {  	v2 =	vld [tilespmem:$0x1900];
	_ =	sdelay $0x1  }
0x32: {  	v1 =	vld.idx.msk [tilespmem:v1+s14+$0x0], $0xffff;
	_ =	sdelay $0x2  }
0x33: {  	v3 =	vsub.f32 $1.000000000e+00, v2;
	_ =	sdelay $0x1  }
0x34: {  	v1 =	vmul.f32 v2, v1;
	v2 =	vmul.f32 $5.000000000e-01, v3;
	_ =	sdelay $0x1  }
0x35: {  	v1 =	vadd.f32 v2, v1;
	_ =	sdelay $0x1  }
0x36: {  	v2 =	vmul.f32 v1, v0;
	_ =	sdelay $0x1  }
0x37: {  	v2 =	vmul.f32 $1.442695020e+00, v2;
	_ =	sdelay $0x1  }
0x38: {  	(erf) = vpow2.f32 v2;
	_ =	sdelay $0x4  }
0x39: {  	v2 =	vld [tilespmem:$0x3290];
	_ =	sdelay $0x3  }
0x3a: {  	v3 =	vpop (erf)  }
0x3b: {  	v1 =	vmul.f32 v3, v1  }
0x3c: {  	[tilespmem:$0x1BA00] =	vst v3;
	v3 =	vld [tilespmem:$0x1910]  }
0x3d: {  	[tilespmem:$0x1BA80] =	vst v1  }
0x3e: {  	v1 =	vld.idx.msk [tilespmem:v2+s14+$0x0], $0xffff;
	_ =	sdelay $0x2  }
0x3f: {  	v2 =	vsub.f32 $1.000000000e+00, v3;
	_ =	sdelay $0x1  }
0x40: {  	v2 =	vmul.f32 $5.000000000e-01, v2;
	v1 =	vmul.f32 v3, v1;
	_ =	sdelay $0x1  }
0x41: {  	v1 =	vadd.f32 v2, v1;
	_ =	sdelay $0x1  }
0x42: {  	v2 =	vmul.f32 v1, v0;
	_ =	sdelay $0x1  }
0x43: {  	v2 =	vmul.f32 $1.442695020e+00, v2;
	_ =	sdelay $0x1  }
0x44: {  	(erf) = vpow2.f32 v2;
	_ =	sdelay $0x4  }
0x45: {  	v2 =	vld [tilespmem:$0x32A0];
	_ =	sdelay $0x3  }
0x46: {  	v3 =	vpop (erf)  }
0x47: {  	v1 =	vmul.f32 v3, v1  }
0x48: {  	[tilespmem:$0x1BA10] =	vst v3;
	v3 =	vld [tilespmem:$0x1920]  }
0x49: {  	[tilespmem:$0x1BA90] =	vst v1  }
0x4a: {  	v1 =	vld.idx.msk [tilespmem:v2+s14+$0x0], $0xffff;
	_ =	sdelay $0x2  }
0x4b: {  	v2 =	vsub.f32 $1.000000000e+00, v3;
	_ =	sdelay $0x1  }
0x4c: {  	v2 =	vmul.f32 $5.000000000e-01, v2;
	v1 =	vmul.f32 v3, v1;
	_ =	sdelay $0x1  }
0x4d: {  	v1 =	vadd.f32 v2, v1;
	_ =	sdelay $0x1  }
0x4e: {  	v2 =	vmul.f32 v1, v0;
	_ =	sdelay $0x1  }
0x4f: {  	v2 =	vmul.f32 $1.442695020e+00, v2;
	_ =	sdelay $0x1  }
0x50: {  	(erf) = vpow2.f32 v2;
	_ =	sdelay $0x4  }
0x51: {  	v2 =	vld [tilespmem:$0x32B0];
	_ =	sdelay $0x3  }
0x52: {  	v3 =	vpop (erf)  }
0x53: {  	v1 =	vmul.f32 v3, v1  }
0x54: {  	[tilespmem:$0x1BA20] =	vst v3;
	v3 =	vld [tilespmem:$0x1930]  }
0x55: {  	[tilespmem:$0x1BAA0] =	vst v1  }
0x56: {  	v1 =	vld.idx.msk [tilespmem:v2+s14+$0x0], $0xffff;
	_ =	sdelay $0x2  }
0x57: {  	v2 =	vsub.f32 $1.000000000e+00, v3;
	_ =	sdelay $0x1  }
0x58: {  	v2 =	vmul.f32 $5.000000000e-01, v2;
	v1 =	vmul.f32 v3, v1;
	_ =	sdelay $0x1  }
0x59: {  	v1 =	vadd.f32 v2, v1;
	_ =	sdelay $0x1  }
0x5a: {  	v2 =	vmul.f32 v1, v0;
	_ =	sdelay $0x1  }
0x5b: {  	v2 =	vmul.f32 $1.442695020e+00, v2;
	_ =	sdelay $0x1  }
0x5c: {  	(erf) = vpow2.f32 v2;
	_ =	sdelay $0x4  }
0x5d: {  	v2 =	vld [tilespmem:$0x32C0];
	_ =	sdelay $0x3  }
0x5e: {  	v3 =	vpop (erf)  }
0x5f: {  	v1 =	vmul.f32 v3, v1  }
0x60: {  	[tilespmem:$0x1BA30] =	vst v3;
	v3 =	vld [tilespmem:$0x1940]  }
0x61: {  	[tilespmem:$0x1BAB0] =	vst v1  }
0x62: {  	v1 =	vld.idx.msk [tilespmem:v2+s14+$0x0], $0xffff;
	_ =	sdelay $0x2  }
0x63: {  	v2 =	vsub.f32 $1.000000000e+00, v3;
	_ =	sdelay $0x1  }
0x64: {  	v2 =	vmul.f32 $5.000000000e-01, v2;
	v1 =	vmul.f32 v3, v1;
	_ =	sdelay $0x1  }
0x65: {  	v1 =	vadd.f32 v2, v1;
	_ =	sdelay $0x1  }
0x66: {  	v2 =	vmul.f32 v1, v0;
	_ =	sdelay $0x1  }
0x67: {  	v2 =	vmul.f32 $1.442695020e+00, v2;
	_ =	sdelay $0x1  }
0x68: {  	(erf) = vpow2.f32 v2;
	_ =	sdelay $0x4  }
0x69: {  	v2 =	vld [tilespmem:$0x32D0];
	_ =	sdelay $0x3  }
0x6a: {  	v3 =	vpop (erf)  }
0x6b: {  	v1 =	vmul.f32 v3, v1  }
0x6c: {  	[tilespmem:$0x1BA40] =	vst v3;
	v3 =	vld [tilespmem:$0x1950]  }
0x6d: {  	[tilespmem:$0x1BAC0] =	vst v1  }
0x6e: {  	v1 =	vld.idx.msk [tilespmem:v2+s14+$0x0], $0xffff;
	_ =	sdelay $0x2  }
0x6f: {  	v2 =	vsub.f32 $1.000000000e+00, v3;
	_ =	sdelay $0x1  }
0x70: {  	v2 =	vmul.f32 $5.000000000e-01, v2;
	v1 =	vmul.f32 v3, v1;
	_ =	sdelay $0x1  }
0x71: {  	v1 =	vadd.f32 v2, v1;
	_ =	sdelay $0x1  }
0x72: {  	v2 =	vmul.f32 v1, v0;
	_ =	sdelay $0x1  }
0x73: {  	v2 =	vmul.f32 $1.442695020e+00, v2;
	_ =	sdelay $0x1  }
0x74: {  	(erf) = vpow2.f32 v2;
	_ =	sdelay $0x4  }
0x75: {  	v2 =	vld [tilespmem:$0x32E0];
	_ =	sdelay $0x3  }
0x76: {  	v3 =	vpop (erf)  }
0x77: {  	v1 =	vmul.f32 v3, v1  }
0x78: {  	[tilespmem:$0x1BA50] =	vst v3;
	v3 =	vld [tilespmem:$0x1960]  }
0x79: {  	[tilespmem:$0x1BAD0] =	vst v1  }
0x7a: {  	v1 =	vld.idx.msk [tilespmem:v2+s14+$0x0], $0xffff;
	_ =	sdelay $0x2  }
0x7b: {  	v2 =	vsub.f32 $1.000000000e+00, v3;
	_ =	sdelay $0x1  }
0x7c: {  	v2 =	vmul.f32 $5.000000000e-01, v2;
	v1 =	vmul.f32 v3, v1;
	_ =	sdelay $0x1  }
0x7d: {  	v1 =	vadd.f32 v2, v1;
	_ =	sdelay $0x1  }
0x7e: {  	v2 =	vmul.f32 v1, v0;
	_ =	sdelay $0x1  }
0x7f: {  	v2 =	vmul.f32 $1.442695020e+00, v2;
	_ =	sdelay $0x1  }
0x80: {  	(erf) = vpow2.f32 v2;
	_ =	sdelay $0x4  }
0x81: {  	v2 =	vld [tilespmem:$0x32F0];
	_ =	sdelay $0x3  }
0x82: {  	v3 =	vpop (erf)  }
0x83: {  	v1 =	vmul.f32 v3, v1  }
0x84: {  	[tilespmem:$0x1BA60] =	vst v3;
	v3 =	vld [tilespmem:$0x1970]  }
0x85: {  	[tilespmem:$0x1BAE0] =	vst v1  }
0x86: {  	v1 =	vld.idx.msk [tilespmem:v2+s14+$0x0], $0xffff;
	_ =	sdelay $0x2  }
0x87: {  	v2 =	vsub.f32 $1.000000000e+00, v3;
	_ =	sdelay $0x1  }
0x88: {  	v2 =	vmul.f32 $5.000000000e-01, v2;
	v1 =	vmul.f32 v3, v1;
	_ =	sdelay $0x1  }
0x89: {  	v1 =	vadd.f32 v2, v1;
	_ =	sdelay $0x1  }
0x8a: {  	v2 =	vmul.f32 v1, v0;
	_ =	sdelay $0x1  }
0x8b: {  	v2 =	vmul.f32 $1.442695020e+00, v2;
	_ =	sdelay $0x1  }
0x8c: {  	(erf) = vpow2.f32 v2;
	_ =	sdelay $0x8  }
0x8d: {  	v2 =	vpop (erf)  }
0x8e: {  	v1 =	vmul.f32 v2, v1  }
0x8f: {  	[tilespmem:$0x1BA70] =	vst v2  }
0x90: {  	[tilespmem:$0x1BAF0] =	vst v1  }
0x91: {  	[spmem:s1] =	stream.indirect.scatter.add.f32 [tilespmem:s23], [sflag:$0x1], $0x1, s20, s22, $0xb8;
	[tilespmem:$0x1BB00] =	vst v63  }
0x92: {  	_ =	swait.ge [sflag:s15], $0x80  }
0x93: {  	[sflag:s15] =	ssyncset.done $0x0  }
0x94: {  	[sflag:s15] =	ssyncadd.s32 $0xFFFFFF80  }
0x95: {  	[spmem:s3] =	stream.indirect.scatter.add.f32 [tilespmem:s24], [sflag:$0x1], $0x1, s20, s22, $0xb8;
	[tilespmem:$0x1BB00] =	vst v63  }
0x96: {  	_ =	swait.ge [sflag:s15], $0x80  }
0x97: {  	s31 =	simm.s32 $0x20;
	s29 =	simm.s32 $0x10;
	[sflag:s15] =	ssyncset.done $0x0  }
.LBB2_2:
0x98: {  	s0 =	sadd.s32 s29, s13  }
0x99: {  	[sflag:s15] =	ssyncadd.s32 $0xFFFFFF80;
	s2 =	smov.u32 s31;
	s30 =	sadd.s32 $0x10, s31  }
0x9a: {  	[tilespmem:s19], [sflag:$0x1] =	stream.linear.gather [hbm4b:s0+s4], $0x80, $0x38;
	[tilespmem:$0x1BB00] =	vst v63  }
0x9b: {  	p0 =	sne.s32 s31, $0x30D0;
	_ =	swait.ge [sflag:s15], $0x80  }
0x9c: {  	[sflag:s15] =	ssyncset.done $0x0  }
0x9d: {  	s0 =	sadd.s32 s29, s12;
	[sflag:s15] =	ssyncadd.s32 $0xFFFFFF80  }
0x9e: {  	[tilespmem:s20], [sflag:$0x1] =	stream.linear.gather [hbm4b:s0+s4], $0x80, $0x38;
	[tilespmem:$0x1BB00] =	vst v63  }
0x9f: {  	_ =	swait.ge [sflag:s15], $0x80  }
0xa0: {  	[sflag:s15] =	ssyncset.done $0x0  }
0xa1: {  	s0 =	sadd.s32 s29, s11;
	s29 =	smov.u32 s2;
	[sflag:s15] =	ssyncadd.s32 $0xFFFFFF80  }
0xa2: {  	[tilespmem:s21], [sflag:$0x1] =	stream.linear.gather [hbm4b:s0+s4], $0x80, $0x38;
	[tilespmem:$0x1BB00] =	vst v63  }
0xa3: {  	_ =	swait.ge [sflag:s15], $0x80  }
0xa4: {  	[sflag:s15] =	ssyncset.done $0x0  }
0xa5: {  	[sflag:s15] =	ssyncadd.s32 $0xFFFFFF80  }
0xa6: {  	v1 =	vld [tilespmem:$0x3280];
	_ =	sdelay $0x6  }
0xa7: {  	v2 =	vld [tilespmem:$0x1900]  }
0xa8: {  	v1 =	vld.idx.msk [tilespmem:v1+s14+$0x0], $0xffff;
	_ =	sdelay $0x3  }
0xa9: {  	v3 =	vsub.f32 $1.000000000e+00, v2;
	_ =	sdelay $0x1  }
0xaa: {  	v1 =	vmul.f32 v2, v1;
	v2 =	vmul.f32 $5.000000000e-01, v3;
	_ =	sdelay $0x1  }
0xab: {  	v1 =	vadd.f32 v2, v1;
	_ =	sdelay $0x1  }
0xac: {  	v2 =	vmul.f32 v1, v0;
	_ =	sdelay $0x1  }
0xad: {  	v2 =	vmul.f32 $1.442695020e+00, v2;
	_ =	sdelay $0x1  }
0xae: {  	(erf) = vpow2.f32 v2;
	_ =	sdelay $0x4  }
0xaf: {  	v2 =	vld [tilespmem:$0x3290];
	_ =	sdelay $0x3  }
0xb0: {  	v3 =	vpop (erf)  }
0xb1: {  	v1 =	vmul.f32 v3, v1  }
0xb2: {  	[tilespmem:$0x1BA00] =	vst v3  }
0xb3: {  	[tilespmem:$0x1BA80] =	vst v1;
	v1 =	vld [tilespmem:$0x1910]  }
0xb4: {  	v2 =	vld.idx.msk [tilespmem:v2+s14+$0x0], $0xffff;
	_ =	sdelay $0x3  }
0xb5: {  	v3 =	vsub.f32 $1.000000000e+00, v1;
	_ =	sdelay $0x1  }
0xb6: {  	v1 =	vmul.f32 v1, v2;
	v2 =	vmul.f32 $5.000000000e-01, v3;
	_ =	sdelay $0x1  }
0xb7: {  	v1 =	vadd.f32 v2, v1;
	_ =	sdelay $0x1  }
0xb8: {  	v2 =	vmul.f32 v1, v0;
	_ =	sdelay $0x1  }
0xb9: {  	v2 =	vmul.f32 $1.442695020e+00, v2;
	_ =	sdelay $0x1  }
0xba: {  	(erf) = vpow2.f32 v2;
	_ =	sdelay $0x4  }
0xbb: {  	v2 =	vld [tilespmem:$0x32A0];
	_ =	sdelay $0x3  }
0xbc: {  	v3 =	vpop (erf)  }
0xbd: {  	v1 =	vmul.f32 v3, v1  }
0xbe: {  	[tilespmem:$0x1BA10] =	vst v3  }
0xbf: {  	[tilespmem:$0x1BA90] =	vst v1;
	v1 =	vld [tilespmem:$0x1920]  }
0xc0: {  	v2 =	vld.idx.msk [tilespmem:v2+s14+$0x0], $0xffff;
	_ =	sdelay $0x3  }
0xc1: {  	v3 =	vsub.f32 $1.000000000e+00, v1;
	_ =	sdelay $0x1  }
0xc2: {  	v1 =	vmul.f32 v1, v2;
	v2 =	vmul.f32 $5.000000000e-01, v3;
	_ =	sdelay $0x1  }
0xc3: {  	v1 =	vadd.f32 v2, v1;
	_ =	sdelay $0x1  }
0xc4: {  	v2 =	vmul.f32 v1, v0;
	_ =	sdelay $0x1  }
0xc5: {  	v2 =	vmul.f32 $1.442695020e+00, v2;
	_ =	sdelay $0x1  }
0xc6: {  	(erf) = vpow2.f32 v2;
	_ =	sdelay $0x4  }
0xc7: {  	v2 =	vld [tilespmem:$0x32B0];
	_ =	sdelay $0x3  }
0xc8: {  	v3 =	vpop (erf)  }
0xc9: {  	v1 =	vmul.f32 v3, v1;
	[tilespmem:$0x1BA20] =	vst v3;
	_ =	sdelay $0x1  }
0xca: {  	[tilespmem:$0x1BAA0] =	vst v1;
	v1 =	vld [tilespmem:$0x1930]  }
0xcb: {  	v2 =	vld.idx.msk [tilespmem:v2+s14+$0x0], $0xffff;
	_ =	sdelay $0x3  }
0xcc: {  	v3 =	vsub.f32 $1.000000000e+00, v1;
	_ =	sdelay $0x1  }
0xcd: {  	v1 =	vmul.f32 v1, v2;
	v2 =	vmul.f32 $5.000000000e-01, v3;
	_ =	sdelay $0x1  }
0xce: {  	v1 =	vadd.f32 v2, v1;
	_ =	sdelay $0x1  }
0xcf: {  	v2 =	vmul.f32 v1, v0;
	_ =	sdelay $0x1  }
0xd0: {  	v2 =	vmul.f32 $1.442695020e+00, v2;
	_ =	sdelay $0x1  }
0xd1: {  	(erf) = vpow2.f32 v2;
	_ =	sdelay $0x4  }
0xd2: {  	v2 =	vld [tilespmem:$0x32C0];
	_ =	sdelay $0x3  }
0xd3: {  	v3 =	vpop (erf)  }
0xd4: {  	v1 =	vmul.f32 v3, v1;
	[tilespmem:$0x1BA30] =	vst v3;
	_ =	sdelay $0x1  }
0xd5: {  	[tilespmem:$0x1BAB0] =	vst v1;
	v1 =	vld [tilespmem:$0x1940]  }
0xd6: {  	v2 =	vld.idx.msk [tilespmem:v2+s14+$0x0], $0xffff;
	_ =	sdelay $0x3  }
0xd7: {  	v3 =	vsub.f32 $1.000000000e+00, v1;
	_ =	sdelay $0x1  }
0xd8: {  	v1 =	vmul.f32 v1, v2;
	v2 =	vmul.f32 $5.000000000e-01, v3;
	_ =	sdelay $0x1  }
0xd9: {  	v1 =	vadd.f32 v2, v1;
	_ =	sdelay $0x1  }
0xda: {  	v2 =	vmul.f32 v1, v0;
	_ =	sdelay $0x1  }
0xdb: {  	v2 =	vmul.f32 $1.442695020e+00, v2;
	_ =	sdelay $0x1  }
0xdc: {  	(erf) = vpow2.f32 v2;
	_ =	sdelay $0x4  }
0xdd: {  	v2 =	vld [tilespmem:$0x32D0];
	_ =	sdelay $0x3  }
0xde: {  	v3 =	vpop (erf)  }
0xdf: {  	v1 =	vmul.f32 v3, v1;
	[tilespmem:$0x1BA40] =	vst v3;
	_ =	sdelay $0x1  }
0xe0: {  	[tilespmem:$0x1BAC0] =	vst v1;
	v1 =	vld [tilespmem:$0x1950]  }
0xe1: {  	v2 =	vld.idx.msk [tilespmem:v2+s14+$0x0], $0xffff;
	_ =	sdelay $0x3  }
0xe2: {  	v3 =	vsub.f32 $1.000000000e+00, v1;
	_ =	sdelay $0x1  }
0xe3: {  	v1 =	vmul.f32 v1, v2;
	v2 =	vmul.f32 $5.000000000e-01, v3;
	_ =	sdelay $0x1  }
0xe4: {  	v1 =	vadd.f32 v2, v1;
	_ =	sdelay $0x1  }
0xe5: {  	v2 =	vmul.f32 v1, v0;
	_ =	sdelay $0x1  }
0xe6: {  	v2 =	vmul.f32 $1.442695020e+00, v2;
	_ =	sdelay $0x1  }
0xe7: {  	(erf) = vpow2.f32 v2;
	_ =	sdelay $0x4  }
0xe8: {  	v2 =	vld [tilespmem:$0x32E0];
	_ =	sdelay $0x3  }
0xe9: {  	v3 =	vpop (erf)  }
0xea: {  	v1 =	vmul.f32 v3, v1;
	[tilespmem:$0x1BA50] =	vst v3;
	_ =	sdelay $0x1  }
0xeb: {  	[tilespmem:$0x1BAD0] =	vst v1;
	v1 =	vld [tilespmem:$0x1960]  }
0xec: {  	v2 =	vld.idx.msk [tilespmem:v2+s14+$0x0], $0xffff;
	_ =	sdelay $0x3  }
0xed: {  	v3 =	vsub.f32 $1.000000000e+00, v1;
	_ =	sdelay $0x1  }
0xee: {  	v1 =	vmul.f32 v1, v2;
	v2 =	vmul.f32 $5.000000000e-01, v3;
	_ =	sdelay $0x1  }
0xef: {  	v1 =	vadd.f32 v2, v1;
	_ =	sdelay $0x1  }
0xf0: {  	v2 =	vmul.f32 v1, v0;
	_ =	sdelay $0x1  }
0xf1: {  	v2 =	vmul.f32 $1.442695020e+00, v2;
	_ =	sdelay $0x1  }
0xf2: {  	(erf) = vpow2.f32 v2;
	_ =	sdelay $0x4  }
0xf3: {  	v2 =	vld [tilespmem:$0x32F0];
	_ =	sdelay $0x3  }
0xf4: {  	v3 =	vpop (erf)  }
0xf5: {  	v1 =	vmul.f32 v3, v1;
	[tilespmem:$0x1BA60] =	vst v3;
	_ =	sdelay $0x1  }
0xf6: {  	[tilespmem:$0x1BAE0] =	vst v1;
	v1 =	vld [tilespmem:$0x1970]  }
0xf7: {  	v2 =	vld.idx.msk [tilespmem:v2+s14+$0x0], $0xffff;
	_ =	sdelay $0x3  }
0xf8: {  	v3 =	vsub.f32 $1.000000000e+00, v1;
	_ =	sdelay $0x1  }
0xf9: {  	v1 =	vmul.f32 v1, v2;
	v2 =	vmul.f32 $5.000000000e-01, v3;
	_ =	sdelay $0x1  }
0xfa: {  	v1 =	vadd.f32 v2, v1;
	_ =	sdelay $0x1  }
0xfb: {  	v2 =	vmul.f32 v1, v0;
	_ =	sdelay $0x1  }
0xfc: {  	v2 =	vmul.f32 $1.442695020e+00, v2;
	_ =	sdelay $0x1  }
0xfd: {  	(erf) = vpow2.f32 v2;
	_ =	sdelay $0x8  }
0xfe: {  	v2 =	vpop (erf)  }
0xff: {  	v1 =	vmul.f32 v2, v1;
	[tilespmem:$0x1BA70] =	vst v2;
	_ =	sdelay $0x1  }
0x100: {  	[tilespmem:$0x1BAF0] =	vst v1  }
0x101: {  	[spmem:s1] =	stream.indirect.scatter.add.f32 [tilespmem:s23], [sflag:$0x1], $0x1, s20, s22, $0xb8;
	[tilespmem:$0x1BB00] =	vst v63  }
0x102: {  	_ =	swait.ge [sflag:s15], $0x80  }
.Ltmp0:
0x103: {  	[sflag:s15] =	ssyncset.done $0x0;
	(pc) =	sbr.rel @p0 .LBB2_2-.Ltmp0, $4  }
0x104: {  	[sflag:s15] =	ssyncadd.s32 $0xFFFFFF80  }
0x105: {  	[spmem:s3] =	stream.indirect.scatter.add.f32 [tilespmem:s24], [sflag:$0x1], $0x1, s20, s22, $0xb8;
	[tilespmem:$0x1BB00] =	vst v63  }
0x106: {  	_ =	swait.ge [sflag:s15], $0x80  }
0x107: {  	s31 =	smov.u32 s30;
	[sflag:s15] =	ssyncset.done $0x0  }
0x108: {  	s0 =	sadd.s32 s29, s13;
	[sflag:s15] =	ssyncadd.s32 $0xFFFFFF80  }
0x109: {  	[tilespmem:s19], [sflag:$0x1] =	stream.linear.gather [hbm4b:s0+s4], $0x80, $0x38;
	[tilespmem:$0x1BB00] =	vst v63  }
0x10a: {  	_ =	swait.ge [sflag:s15], $0x80  }
0x10b: {  	[sflag:s15] =	ssyncset.done $0x0  }
0x10c: {  	s30 =	sadd.s32 s29, s12;
	[sflag:s15] =	ssyncadd.s32 $0xFFFFFF80  }
0x10d: {  	[tilespmem:s20], [sflag:$0x1] =	stream.linear.gather [hbm4b:s30+s4], $0x80, $0x38;
	[tilespmem:$0x1BB00] =	vst v63  }
0x10e: {  	_ =	swait.ge [sflag:s15], $0x80  }
0x10f: {  	[sflag:s15] =	ssyncset.done $0x0  }
0x110: {  	s31 =	sadd.s32 s29, s11;
	[sflag:s15] =	ssyncadd.s32 $0xFFFFFF80  }
0x111: {  	[tilespmem:s21], [sflag:$0x1] =	stream.linear.gather [hbm4b:s31+s4], $0x80, $0x38;
	[tilespmem:$0x1BB00] =	vst v63  }
0x112: {  	_ =	swait.ge [sflag:s15], $0x80  }
0x113: {  	[sflag:s15] =	ssyncset.done $0x0  }
0x114: {  	[sflag:s15] =	ssyncadd.s32 $0xFFFFFF80  }
0x115: {  	v1 =	vld [tilespmem:$0x3280];
	_ =	sdelay $0x5  }
0x116: {  	v2 =	vld [tilespmem:$0x1900];
	_ =	sdelay $0x1  }
0x117: {  	v1 =	vld.idx.msk [tilespmem:v1+s14+$0x0], $0xffff;
	_ =	sdelay $0x2  }
0x118: {  	v3 =	vsub.f32 $1.000000000e+00, v2;
	_ =	sdelay $0x1  }
0x119: {  	v34 =	vmul.f32 $5.000000000e-01, v3;
	v1 =	vmul.f32 v2, v1;
	_ =	sdelay $0x1  }
0x11a: {  	v1 =	vadd.f32 v34, v1;
	_ =	sdelay $0x1  }
0x11b: {  	v2 =	vmul.f32 v1, v0;
	_ =	sdelay $0x1  }
0x11c: {  	v2 =	vmul.f32 $1.442695020e+00, v2;
	_ =	sdelay $0x1  }
0x11d: {  	(erf) = vpow2.f32 v2;
	_ =	sdelay $0x4  }
0x11e: {  	v35 =	vld [tilespmem:$0x3290];
	_ =	sdelay $0x3  }
0x11f: {  	v36 =	vpop (erf)  }
0x120: {  	v1 =	vmul.f32 v36, v1  }
0x121: {  	v37 =	vld [tilespmem:$0x1910];
	[tilespmem:$0x1BA00] =	vst v36  }
0x122: {  	[tilespmem:$0x1BA80] =	vst v1  }
0x123: {  	v1 =	vld.idx.msk [tilespmem:v35+s14+$0x0], $0xffff;
	_ =	sdelay $0x2  }
0x124: {  	v38 =	vsub.f32 $1.000000000e+00, v37;
	_ =	sdelay $0x1  }
0x125: {  	v2 =	vmul.f32 $5.000000000e-01, v38;
	v1 =	vmul.f32 v37, v1;
	_ =	sdelay $0x1  }
0x126: {  	v1 =	vadd.f32 v2, v1;
	_ =	sdelay $0x1  }
0x127: {  	v2 =	vmul.f32 v1, v0;
	_ =	sdelay $0x1  }
0x128: {  	v2 =	vmul.f32 $1.442695020e+00, v2;
	_ =	sdelay $0x1  }
0x129: {  	(erf) = vpow2.f32 v2;
	_ =	sdelay $0x4  }
0x12a: {  	v39 =	vld [tilespmem:$0x32A0];
	_ =	sdelay $0x3  }
0x12b: {  	v40 =	vpop (erf)  }
0x12c: {  	v1 =	vmul.f32 v40, v1  }
0x12d: {  	v41 =	vld [tilespmem:$0x1920];
	[tilespmem:$0x1BA10] =	vst v40  }
0x12e: {  	[tilespmem:$0x1BA90] =	vst v1  }
0x12f: {  	v1 =	vld.idx.msk [tilespmem:v39+s14+$0x0], $0xffff;
	_ =	sdelay $0x2  }
0x130: {  	v42 =	vsub.f32 $1.000000000e+00, v41;
	_ =	sdelay $0x1  }
0x131: {  	v2 =	vmul.f32 $5.000000000e-01, v42;
	v1 =	vmul.f32 v41, v1;
	_ =	sdelay $0x1  }
0x132: {  	v1 =	vadd.f32 v2, v1;
	_ =	sdelay $0x1  }
0x133: {  	v2 =	vmul.f32 v1, v0;
	_ =	sdelay $0x1  }
0x134: {  	v2 =	vmul.f32 $1.442695020e+00, v2;
	_ =	sdelay $0x1  }
0x135: {  	(erf) = vpow2.f32 v2;
	_ =	sdelay $0x4  }
0x136: {  	v43 =	vld [tilespmem:$0x32B0];
	_ =	sdelay $0x3  }
0x137: {  	v44 =	vpop (erf)  }
0x138: {  	v1 =	vmul.f32 v44, v1  }
0x139: {  	v45 =	vld [tilespmem:$0x1930];
	[tilespmem:$0x1BA20] =	vst v44  }
0x13a: {  	[tilespmem:$0x1BAA0] =	vst v1  }
0x13b: {  	v1 =	vld.idx.msk [tilespmem:v43+s14+$0x0], $0xffff;
	_ =	sdelay $0x2  }
0x13c: {  	v46 =	vsub.f32 $1.000000000e+00, v45;
	_ =	sdelay $0x1  }
0x13d: {  	v2 =	vmul.f32 $5.000000000e-01, v46;
	v1 =	vmul.f32 v45, v1;
	_ =	sdelay $0x1  }
0x13e: {  	v1 =	vadd.f32 v2, v1;
	_ =	sdelay $0x1  }
0x13f: {  	v2 =	vmul.f32 v1, v0;
	_ =	sdelay $0x1  }
0x140: {  	v2 =	vmul.f32 $1.442695020e+00, v2;
	_ =	sdelay $0x1  }
0x141: {  	(erf) = vpow2.f32 v2;
	_ =	sdelay $0x4  }
0x142: {  	v47 =	vld [tilespmem:$0x32C0];
	_ =	sdelay $0x3  }
0x143: {  	v48 =	vpop (erf)  }
0x144: {  	v1 =	vmul.f32 v48, v1  }
0x145: {  	v49 =	vld [tilespmem:$0x1940];
	[tilespmem:$0x1BA30] =	vst v48  }
0x146: {  	[tilespmem:$0x1BAB0] =	vst v1  }
0x147: {  	v1 =	vld.idx.msk [tilespmem:v47+s14+$0x0], $0xffff;
	_ =	sdelay $0x2  }
0x148: {  	v50 =	vsub.f32 $1.000000000e+00, v49;
	_ =	sdelay $0x1  }
0x149: {  	v2 =	vmul.f32 $5.000000000e-01, v50;
	v1 =	vmul.f32 v49, v1;
	_ =	sdelay $0x1  }
0x14a: {  	v1 =	vadd.f32 v2, v1;
	_ =	sdelay $0x1  }
0x14b: {  	v2 =	vmul.f32 v1, v0;
	_ =	sdelay $0x1  }
0x14c: {  	v2 =	vmul.f32 $1.442695020e+00, v2;
	_ =	sdelay $0x1  }
0x14d: {  	(erf) = vpow2.f32 v2;
	_ =	sdelay $0x4  }
0x14e: {  	v51 =	vld [tilespmem:$0x32D0];
	_ =	sdelay $0x3  }
0x14f: {  	v52 =	vpop (erf)  }
0x150: {  	v1 =	vmul.f32 v52, v1  }
0x151: {  	v53 =	vld [tilespmem:$0x1950];
	[tilespmem:$0x1BA40] =	vst v52  }
0x152: {  	[tilespmem:$0x1BAC0] =	vst v1  }
0x153: {  	v1 =	vld.idx.msk [tilespmem:v51+s14+$0x0], $0xffff;
	_ =	sdelay $0x2  }
0x154: {  	v54 =	vsub.f32 $1.000000000e+00, v53;
	_ =	sdelay $0x1  }
0x155: {  	v2 =	vmul.f32 $5.000000000e-01, v54;
	v1 =	vmul.f32 v53, v1;
	_ =	sdelay $0x1  }
0x156: {  	v1 =	vadd.f32 v2, v1;
	_ =	sdelay $0x1  }
0x157: {  	v2 =	vmul.f32 v1, v0;
	_ =	sdelay $0x1  }
0x158: {  	v2 =	vmul.f32 $1.442695020e+00, v2;
	_ =	sdelay $0x1  }
0x159: {  	(erf) = vpow2.f32 v2;
	_ =	sdelay $0x4  }
0x15a: {  	v55 =	vld [tilespmem:$0x32E0];
	_ =	sdelay $0x3  }
0x15b: {  	v56 =	vpop (erf)  }
0x15c: {  	v1 =	vmul.f32 v56, v1  }
0x15d: {  	v57 =	vld [tilespmem:$0x1960];
	[tilespmem:$0x1BA50] =	vst v56  }
0x15e: {  	[tilespmem:$0x1BAD0] =	vst v1  }
0x15f: {  	v1 =	vld.idx.msk [tilespmem:v55+s14+$0x0], $0xffff;
	_ =	sdelay $0x2  }
0x160: {  	v58 =	vsub.f32 $1.000000000e+00, v57;
	_ =	sdelay $0x1  }
0x161: {  	v2 =	vmul.f32 $5.000000000e-01, v58;
	v1 =	vmul.f32 v57, v1;
	_ =	sdelay $0x1  }
0x162: {  	v1 =	vadd.f32 v2, v1;
	_ =	sdelay $0x1  }
0x163: {  	v2 =	vmul.f32 v1, v0;
	_ =	sdelay $0x1  }
0x164: {  	v2 =	vmul.f32 $1.442695020e+00, v2;
	_ =	sdelay $0x1  }
0x165: {  	(erf) = vpow2.f32 v2;
	_ =	sdelay $0x4  }
0x166: {  	v59 =	vld [tilespmem:$0x32F0];
	_ =	sdelay $0x3  }
0x167: {  	v60 =	vpop (erf)  }
0x168: {  	v1 =	vmul.f32 v60, v1  }
0x169: {  	v61 =	vld [tilespmem:$0x1970];
	[tilespmem:$0x1BA60] =	vst v60  }
0x16a: {  	[tilespmem:$0x1BAE0] =	vst v1  }
0x16b: {  	v1 =	vld.idx.msk [tilespmem:v59+s14+$0x0], $0xffff;
	_ =	sdelay $0x2  }
0x16c: {  	v62 =	vsub.f32 $1.000000000e+00, v61;
	_ =	sdelay $0x1  }
0x16d: {  	v2 =	vmul.f32 $5.000000000e-01, v62;
	v1 =	vmul.f32 v61, v1;
	_ =	sdelay $0x1  }
0x16e: {  	v1 =	vadd.f32 v2, v1;
	_ =	sdelay $0x1  }
0x16f: {  	v63 =	vmul.f32 v1, v0;
	_ =	sdelay $0x1  }
0x170: {  	v0 =	vmul.f32 $1.442695020e+00, v63;
	_ =	sdelay $0x1  }
0x171: {  	(erf) = vpow2.f32 v0;
	_ =	sdelay $0x8  }
0x172: {  	v0 =	vpop (erf)  }
0x173: {  	v1 =	vmul.f32 v0, v1  }
0x174: {  	[tilespmem:$0x1BA70] =	vst v0  }
0x175: {  	[tilespmem:$0x1BAF0] =	vst v1  }
0x176: {  	[spmem:s1] =	stream.indirect.scatter.add.f32 [tilespmem:s23], [sflag:$0x1], $0x1, s20, s22, $0xb8;
	[tilespmem:$0x1BB00] =	vst v63  }
0x177: {  	_ =	swait.ge [sflag:s15], $0x80  }
0x178: {  	[sflag:s15] =	ssyncset.done $0x0  }
0x179: {  	[sflag:s15] =	ssyncadd.s32 $0xFFFFFF80  }
0x17a: {  	[spmem:s3] =	stream.indirect.scatter.add.f32 [tilespmem:s24], [sflag:$0x1], $0x1, s20, s22, $0xb8;
	[tilespmem:$0x1BB00] =	vst v63  }
0x17b: {  	_ =	swait.ge [sflag:s15], $0x80  }
0x17c: {  	[sflag:s15] =	ssyncset.done $0x0  }
0x17d: {  	[sflag:s15] =	ssyncadd.s32 $0xFFFFFF80  }
0x17e: {  	[bflag:$0x0] =	sbarrier.arrive $0xFFFF  }
0x17f: {  	[hbm:s8@s25], [sflag:s16] =	dma.strided [spmem:s17@s26], $0x310, s15, $0x10   }
0x180: {  	s28 =	sadd.s32 $0x1, s28;
	_ =	swait.ge [sflag:s15], $0x310  }
0x181: {  	p0 =	sne.s32 s28, s10;
	[sflag:s15] =	ssyncset.done $0x0  }
.Ltmp1:
0x182: {  	[sflag:s15] =	ssyncadd.s32 $0xFFFFFCF0;
	(pc) =	sbr.rel @p0 .LBB2_1-.Ltmp1, $4  }
0x183: {  	[hbm:s9@s25], [sflag:s16] =	dma.strided [spmem:s18@s26], $0x310, s15, $0x10   }
0x184: {  	_ =	swait.ge [sflag:s15], $0x310  }
0x185: {  	[sflag:s15] =	ssyncset.done $0x0  }
0x186: {  	[sflag:s15] =	ssyncadd.s32 $0xFFFFFCF0  }
0x187: {  	_ =	sfence.sel $0x180000  }
0x188: {  	[bflag:$0x0] =	sbarrier.arrive $0xFFFF  }
0x189: {  	_ =	strace $0x90000047  }
0x18a: {  	s0 =	stileid.u32;
	[bflag:$0x2] =	sbarrier.arrive $0xFFFF  }
0x18b: {  	p0 =	sne.s32 s0, $0x0;
	s0 =	rddreg [dreg:$0x3]  }
0x18c: {  	s0 =	sadd.s32 @!p0 $0x100000, s0  }
0x18d: {  	[sflag:s0] =	ssyncadd.tile.s32 @!p0 $0x1;
	_ =	shalt  }
.Lfunc_end2:
_tile_overlayer_lowered:
.L_overlay_start_2:
0x18e: {  	(tag) =	ssettag $0x2  }
0x18f: {  	s0 =	rddreg [dreg:$0x0];
	s2 =	stileid.u32  }
0x190: {  	s1 =	rddreg [dreg:$0x1];
	p0 =	sne.s32 s2, $0x0  }
0x191: {  	s3 =	rddreg [dreg:$0x2];
	[bflag:$0x3] =	sbarrier.arrive $0xFFFF;
	s2 =	simm.s32 @!p0 $0x1C01  }
0x192: {  	[timem:s3], [sflag:s2] =	dma.local @!p0 [hbm:s0], s1  }
0x193: {  	s0 =	simm.s32 @!p0 $0x1  }
0x194: {  	_ =	swait.ge @!p0 [sflag:s0], s1  }
0x195: {  	s1 =	ssub.s32 @!p0 $0x0, s1;
	[sflag:s0] =	ssyncset.done @!p0 $0x0  }
0x196: {  	[sflag:s0] =	ssyncadd.s32 @!p0 s1  }
0x197: {  	[bflag:$0x3] =	sbarrier.arrive $0xFFFF  }
0x198: {  	_ =	shalt  }

</sc_bundles>
